<compile_context>
chip_gen: v7x
topology: tpu7x:2x2x1
jax: 0.10.2.dev20260603
libtpu: 0.0.44.dev20260713+nightly
codegen_flags: <defaults>
</compile_context>

<pallas_src>
import functools

import jax
import jax.numpy as jnp
from jax import lax
from jax.experimental import pallas as pl
from jax.experimental.pallas import tpu as pltpu
from jax.experimental.pallas import tpu_sc as plsc

L = 2048
D_MODEL = 768
D_CKV = 192
D_CQ = 256
N_HEAD = 8
D_HEAD = 64
D_ROPE = 32
HALF = D_ROPE // 2
K_TS = 32
LOCAL_WINDOW = 16
N_IDX_HEADS = 2
ROPE_BASE = 10000.0
D_TAB = D_CKV + D_ROPE
D_PAD = 256

BLK = 256
GRID = L // BLK
BLK_A = 64
GRID_A = L // BLK_A

_ENC_PINF = 0x7F800000
_ENC_NINF = -2139095041
_SENTINEL = -2147483648


def _softplus(v):
    return jnp.maximum(v, 0.0) + jnp.log(1.0 + jnp.exp(-jnp.abs(v)))


def _prep_body(x_ref, w_dkv_ref, w_kr_ref, w_dq_ref, w_uq_ref, w_qr_ref,
               w_uk_ref, idx_wq_ref, idx_wk_ref, cos_q_ref, sin_q_ref,
               table_ref, qlat_ref, qrot_ref, qi_ref, ki_ref):
    x = x_ref[...]
    c_kv = jnp.dot(x, w_dkv_ref[...], preferred_element_type=jnp.float32)
    kr_sp = _softplus(jnp.dot(x, w_kr_ref[...],
                              preferred_element_type=jnp.float32))
    table_ref[...] = jnp.concatenate(
        [c_kv, kr_sp, jnp.zeros((BLK, D_PAD - D_TAB), jnp.float32)], axis=1)

    c_q = jnp.dot(x, w_dq_ref[...], preferred_element_type=jnp.float32)
    q_c = jnp.dot(c_q, w_uq_ref[...], preferred_element_type=jnp.float32)
    q_r = jnp.dot(c_q, w_qr_ref[...], preferred_element_type=jnp.float32)
    w_uk = w_uk_ref[...]
    cos_q = cos_q_ref[...]
    sin_q = sin_q_ref[...]

    qlat_parts = []
    qrot_parts = []
    for h in range(N_HEAD):
        qc_h = q_c[:, h * D_HEAD:(h + 1) * D_HEAD]
        wuk_h = w_uk[:, h * D_HEAD:(h + 1) * D_HEAD]
        qlat_parts.append(lax.dot_general(
            qc_h, wuk_h, (((1,), (1,)), ((), ())),
            preferred_element_type=jnp.float32))
        sp = _softplus(q_r[:, h * D_ROPE:(h + 1) * D_ROPE])
        mu1 = sp[:, :HALF]
        mu2 = sp[:, HALF:]
        qrot_parts.append(mu1 * cos_q - mu2 * sin_q)
        qrot_parts.append(mu1 * sin_q + mu2 * cos_q)
    qlat_ref[...] = jnp.concatenate(qlat_parts, axis=1)
    qrot_ref[...] = jnp.concatenate(qrot_parts, axis=1)

    qi_ref[...] = jnp.dot(x, idx_wq_ref[...], preferred_element_type=jnp.float32)
    ki_ref[...] = jnp.dot(x, idx_wk_ref[...], preferred_element_type=jnp.float32)


def _topk_body(qi_ref, ki_ref, iw_ref, idx_ref):
    blk = pl.program_id(0)
    q_i = qi_ref[...]
    k_i = ki_ref[...]
    iw = iw_ref[...]

    I = jnp.zeros((BLK, L), jnp.float32)
    for h in range(N_IDX_HEADS):
        s = lax.dot_general(q_i[:, h * D_HEAD:(h + 1) * D_HEAD], k_i,
                            (((1,), (1,)), ((), ())),
                            preferred_element_type=jnp.float32)
        r = jnp.maximum(s, 0.0).astype(jnp.bfloat16).astype(jnp.float32)
        w = iw[:, h:h + 1].astype(jnp.bfloat16).astype(jnp.float32)
        I = I + r * w

    row = blk * BLK + lax.broadcasted_iota(jnp.int32, (BLK, L), 0)
    col = lax.broadcasted_iota(jnp.int32, (BLK, L), 1)

    row16 = blk * BLK + lax.broadcasted_iota(jnp.int32, (BLK, LOCAL_WINDOW), 0)
    k16 = lax.broadcasted_iota(jnp.int32, (BLK, LOCAL_WINDOW), 1)
    first16 = k16 + jnp.maximum(row16 - (LOCAL_WINDOW - 1), 0)

    b = lax.bitcast_convert_type(I, jnp.int32)
    enc = jnp.where(b < 0, b ^ jnp.int32(0x7FFFFFFF), b)
    enc = jnp.where(col > row, jnp.int32(_ENC_NINF), enc)
    picked = (col >= row - (LOCAL_WINDOW - 1)) & (col <= jnp.maximum(row, LOCAL_WINDOW - 1))
    enc = jnp.where(picked, jnp.int32(_SENTINEL), enc)

    cols_out = [first16]
    for _ in range(K_TS - LOCAL_WINDOW):
        m = jnp.max(enc, axis=1, keepdims=True)
        cand = jnp.where(enc == m, col, jnp.int32(L))
        j = jnp.min(cand, axis=1, keepdims=True)
        cols_out.append(j)
        enc = jnp.where(col == j, jnp.int32(_SENTINEL), enc)
    idx_ref[...] = jnp.concatenate(cols_out, axis=1)


def _attn_body(g_ref, qlat_ref, qrot_ref, cos_k_ref, sin_k_ref,
               w_uv_ref, w_out_ref, out_ref):
    g = g_ref[...]
    ckv = g[:, :, :D_CKV]
    mu1 = g[:, :, D_CKV:D_CKV + HALF]
    mu2 = g[:, :, D_CKV + HALF:D_TAB]
    cos_k = cos_k_ref[...][None, :, :]
    sin_k = sin_k_ref[...][None, :, :]
    kr1 = mu1 * cos_k - mu2 * sin_k
    kr2 = mu1 * sin_k + mu2 * cos_k

    qlat = qlat_ref[...]
    qrot = qrot_ref[...]
    w_uv = w_uv_ref[...]
    scale = (D_HEAD + D_ROPE) ** -0.5

    o_parts = []
    for h in range(N_HEAD):
        ql_h = qlat[:, h * D_CKV:(h + 1) * D_CKV]
        qr1 = qrot[:, h * D_ROPE:h * D_ROPE + HALF]
        qr2 = qrot[:, h * D_ROPE + HALF:(h + 1) * D_ROPE]
        s = jnp.sum(ql_h[:, None, :] * ckv, axis=2)
        s = s + jnp.sum(qr1[:, None, :] * kr1, axis=2)
        s = s + jnp.sum(qr2[:, None, :] * kr2, axis=2)
        s = s * scale
        m = jnp.max(s, axis=1, keepdims=True)
        e = jnp.exp(s - m)
        p = e / jnp.sum(e, axis=1, keepdims=True)
        w_lat = jnp.sum(p[:, :, None] * ckv, axis=1)
        o_parts.append(jnp.dot(w_lat, w_uv[:, h * D_HEAD:(h + 1) * D_HEAD],
                               preferred_element_type=jnp.float32))
    attn_o = jnp.concatenate(o_parts, axis=1)
    out_ref[...] = jnp.dot(attn_o, w_out_ref[...],
                           preferred_element_type=jnp.float32)


_NW = 32
_BPW = (L * K_TS) // _NW
_CH = 128


def _sc_gather_call(table, idx_flat):
    mesh = plsc.VectorSubcoreMesh(core_axis_name="c", subcore_axis_name="s")

    @functools.partial(
        pl.kernel, mesh=mesh,
        out_type=jax.ShapeDtypeStruct((L * K_TS, D_PAD), jnp.float32),
        scratch_types=[
            pltpu.VMEM((_CH,), jnp.int32),
            pltpu.VMEM((_CH, D_PAD), jnp.float32),
            pltpu.SemaphoreType.DMA,
        ],
    )
    def gk(table_hbm, idx_hbm, out_hbm, idx_v, rows_v, sem):
        wid = lax.axis_index("s") * 2 + lax.axis_index("c")
        base = wid * _BPW

        def body(i, carry):
            off = base + i * _CH
            pltpu.sync_copy(idx_hbm.at[pl.ds(off, _CH)], idx_v)
            pltpu.async_copy(table_hbm.at[idx_v], rows_v, sem).wait()
            pltpu.sync_copy(rows_v, out_hbm.at[pl.ds(off, _CH)])
            return carry

        lax.fori_loop(0, _BPW // _CH, body, 0)

    return gk(table, idx_flat)


def _prep_call(x2, w_dkv, w_kr, w_dq, w_uq, w_qr, w_uk, idx_wq, idx_wk,
               cos_q, sin_q):
    full = lambda r, c: pl.BlockSpec((r, c), lambda i: (0, 0))
    blkd = lambda c: pl.BlockSpec((BLK, c), lambda i: (i, 0))
    return pl.pallas_call(
        _prep_body,
        grid=(GRID,),
        in_specs=[
            blkd(D_MODEL),
            full(D_MODEL, D_CKV),
            full(D_MODEL, D_ROPE),
            full(D_MODEL, D_CQ),
            full(D_CQ, N_HEAD * D_HEAD),
            full(D_CQ, N_HEAD * D_ROPE),
            full(D_CKV, N_HEAD * D_HEAD),
            full(D_MODEL, N_IDX_HEADS * D_HEAD),
            full(D_MODEL, D_HEAD),
            blkd(HALF),
            blkd(HALF),
        ],
        out_specs=[
            blkd(D_PAD),
            blkd(N_HEAD * D_CKV),
            blkd(N_HEAD * D_ROPE),
            blkd(N_IDX_HEADS * D_HEAD),
            blkd(D_HEAD),
        ],
        out_shape=[
            jax.ShapeDtypeStruct((L, D_PAD), jnp.float32),
            jax.ShapeDtypeStruct((L, N_HEAD * D_CKV), jnp.float32),
            jax.ShapeDtypeStruct((L, N_HEAD * D_ROPE), jnp.float32),
            jax.ShapeDtypeStruct((L, N_IDX_HEADS * D_HEAD), jnp.float32),
            jax.ShapeDtypeStruct((L, D_HEAD), jnp.float32),
        ],
    )(x2, w_dkv, w_kr, w_dq, w_uq, w_qr, w_uk, idx_wq, idx_wk, cos_q, sin_q)


def _topk_call(q_i, k_i, iw):
    return pl.pallas_call(
        _topk_body,
        grid=(GRID,),
        in_specs=[
            pl.BlockSpec((BLK, N_IDX_HEADS * D_HEAD), lambda i: (i, 0)),
            pl.BlockSpec((L, D_HEAD), lambda i: (0, 0)),
            pl.BlockSpec((1, N_IDX_HEADS), lambda i: (0, 0)),
        ],
        out_specs=pl.BlockSpec((BLK, K_TS), lambda i: (i, 0)),
        out_shape=jax.ShapeDtypeStruct((L, K_TS), jnp.int32),
    )(q_i, k_i, iw)


def _attn_call(g3, qlat, qrot, cos_k, sin_k, w_uv, w_out):
    return pl.pallas_call(
        _attn_body,
        grid=(GRID_A,),
        in_specs=[
            pl.BlockSpec((BLK_A, K_TS, D_PAD), lambda i: (i, 0, 0)),
            pl.BlockSpec((BLK_A, N_HEAD * D_CKV), lambda i: (i, 0)),
            pl.BlockSpec((BLK_A, N_HEAD * D_ROPE), lambda i: (i, 0)),
            pl.BlockSpec((K_TS, HALF), lambda i: (0, 0)),
            pl.BlockSpec((K_TS, HALF), lambda i: (0, 0)),
            pl.BlockSpec((D_CKV, N_HEAD * D_HEAD), lambda i: (0, 0)),
            pl.BlockSpec((N_HEAD * D_HEAD, D_MODEL), lambda i: (0, 0)),
        ],
        out_specs=pl.BlockSpec((BLK_A, D_MODEL), lambda i: (i, 0)),
        out_shape=jax.ShapeDtypeStruct((L, D_MODEL), jnp.float32),
    )(g3, qlat, qrot, cos_k, sin_k, w_uv, w_out)


def kernel(x, w_dkv, w_uk, w_uv, w_dq, w_uq, w_qr, w_kr, raw_delta, w_out,
           idx_wq, idx_wk, idx_w):
    b = x.shape[0]
    x2 = x.reshape(L, D_MODEL)

    theta = 1.0 / (ROPE_BASE ** (2.0 * jnp.arange(HALF, dtype=jnp.float32)
                                 / D_ROPE))
    delta = -2.0 * jnp.pi * jax.nn.sigmoid(raw_delta)
    ang_q = jnp.arange(L, dtype=jnp.float32)[:, None] * theta[None, :] + delta[None, :]
    ang_k = jnp.arange(K_TS, dtype=jnp.float32)[:, None] * theta[None, :] + delta[None, :]
    cos_q, sin_q = jnp.cos(ang_q), jnp.sin(ang_q)
    cos_k, sin_k = jnp.cos(ang_k), jnp.sin(ang_k)

    table, qlat, qrot, q_i, k_i = _prep_call(
        x2, w_dkv, w_kr, w_dq, w_uq, w_qr, w_uk, idx_wq, idx_wk, cos_q, sin_q)
    idx = _topk_call(q_i, k_i, idx_w.reshape(1, N_IDX_HEADS))
    gathered = _sc_gather_call(table, idx.reshape(-1))
    out = _attn_call(gathered.reshape(L, K_TS, D_PAD), qlat, qrot,
                     cos_k, sin_k, w_uv, w_out)
    return out.reshape(b, L, D_MODEL)

# --- scband reference (transcript-rebuilt; emitter-appended) ---
"""Pipeline reference for scband-multihead-latent-attention-17755394801798 (READ-ONLY COPY).

The authoritative reference and input builder live on the scoring server;
editing this copy changes nothing except your own understanding.
"""

import jax, jax.numpy as jnp
import numpy as np

BATCH = 1
SEQ = 2048
D_MODEL = 768
D_CKV = 192
D_CQ = 256
N_HEAD = 8
D_HEAD = 64
D_ROPE = 32
MAX_SEQ = 2048
K_TS = 32
LOCAL_WINDOW = 16
N_IDX_HEADS = 2
ROPE_BASE = 10000.0


def setup_inputs(seed: int = 0) -> dict:
    key = jax.random.key(seed)
    ks = jax.random.split(key, 12)
    s = 0.02
    return {
        "x": jax.random.normal(ks[0], (BATCH, SEQ, D_MODEL), dtype=jnp.float32),
        "w_dkv": jax.random.normal(ks[1], (D_MODEL, D_CKV), dtype=jnp.float32) * s,
        "w_uk": jax.random.normal(ks[2], (D_CKV, N_HEAD * D_HEAD), dtype=jnp.float32) * s,
        "w_uv": jax.random.normal(ks[3], (D_CKV, N_HEAD * D_HEAD), dtype=jnp.float32) * s,
        "w_dq": jax.random.normal(ks[4], (D_MODEL, D_CQ), dtype=jnp.float32) * s,
        "w_uq": jax.random.normal(ks[5], (D_CQ, N_HEAD * D_HEAD), dtype=jnp.float32) * s,
        "w_qr": jax.random.normal(ks[6], (D_CQ, N_HEAD * D_ROPE), dtype=jnp.float32) * s,
        "w_kr": jax.random.normal(ks[7], (D_MODEL, D_ROPE), dtype=jnp.float32) * s,
        "raw_delta": jnp.zeros((D_ROPE // 2,), dtype=jnp.float32),
        "w_out": jax.random.normal(ks[8], (N_HEAD * D_HEAD, D_MODEL), dtype=jnp.float32) * s,
        "idx_wq": jax.random.normal(ks[9], (D_MODEL, N_IDX_HEADS * D_HEAD), dtype=jnp.float32) * s,
        "idx_wk": jax.random.normal(ks[10], (D_MODEL, D_HEAD), dtype=jnp.float32) * s,
        "idx_w": jnp.ones((N_IDX_HEADS,), dtype=jnp.float32),
    }


def _pope(x, raw_delta):
    half = D_ROPE // 2
    theta = 1.0 / (ROPE_BASE ** (2.0 * jnp.arange(half, dtype=jnp.float32) / D_ROPE))
    pos = jnp.arange(MAX_SEQ, dtype=jnp.float32)
    base_angles = jnp.outer(pos, theta)
    delta = -2.0 * jnp.pi * jax.nn.sigmoid(raw_delta)
    n = x.shape[1]
    angles = base_angles[:n][None, :, None, :] + delta
    cos = jnp.cos(angles)
    sin = jnp.sin(angles)
    sp = jax.nn.softplus(x)
    mu1, mu2 = jnp.split(sp, 2, axis=-1)
    x1 = mu1 * cos - mu2 * sin
    x2 = mu1 * sin + mu2 * cos
    return jnp.concatenate([x1, x2], axis=-1)


def reference(x, w_dkv, w_uk, w_uv, w_dq, w_uq, w_qr, w_kr, raw_delta, w_out, idx_wq, idx_wk, idx_w):
    b, L, _ = x.shape
    c_kv = x @ w_dkv
    # LightningIndexer (fallback path)
    q_i = (x @ idx_wq).reshape(b, L, N_IDX_HEADS, D_HEAD)
    k_i = x @ idx_wk
    scores_i = jax.nn.relu(jnp.einsum('bthd,bsd->bths', q_i, k_i))
    I = jnp.einsum('bths,h->bts', scores_i, idx_w)
    # TokenSelector
    q_pos = jnp.arange(L)[:, None]
    k_pos = jnp.arange(L)[None, :]
    local_mask = (k_pos >= q_pos - LOCAL_WINDOW + 1) & (k_pos <= q_pos)
    causal_mask = k_pos > q_pos
    I = jnp.where(local_mask[None, :, :], jnp.inf, I)
    I = jnp.where(causal_mask[None, :, :], -jnp.inf, I)
    kk = min(K_TS, L)
    _, idx = jax.lax.top_k(I, kk)  # [b, L, kk]
    # gather selected latent kv and raw tokens
    combined = jnp.concatenate([c_kv, x], axis=-1)
    combined_selected = jnp.take_along_axis(combined[:, None, :, :], idx[:, :, :, None], axis=2)
    ckv_selected = combined_selected[..., :D_CKV]
    x_selected = combined_selected[..., D_CKV:]
    key_c = (ckv_selected @ w_uk).reshape(b, L, kk, N_HEAD, D_HEAD).transpose(0, 3, 1, 2, 4)
    value = (ckv_selected @ w_uv).reshape(b, L, kk, N_HEAD, D_HEAD).transpose(0, 3, 1, 2, 4)
    c_q = x @ w_dq
    query_c = (c_q @ w_uq).reshape(b, L, N_HEAD, D_HEAD).transpose(0, 2, 1, 3)
    query_r = _pope((c_q @ w_qr).reshape(b, L, N_HEAD, D_ROPE), raw_delta).transpose(0, 2, 1, 3)
    ker_r_pre = x_selected @ w_kr  # [b, L, kk, D_ROPE]
    key_r = _pope(ker_r_pre.transpose(0, 2, 1, 3), raw_delta)
    key_r = key_r.transpose(0, 2, 1, 3)
    key_r = jnp.broadcast_to(key_r[:, None, :, :, :], (b, N_HEAD, L, kk, D_ROPE))
    query = jnp.concatenate([query_c, query_r], axis=-1)
    key = jnp.concatenate([key_c, key_r], axis=-1)
    scale = (D_HEAD + D_ROPE) ** (-0.5)
    attn_scores = jnp.einsum('bhld,bhlkd->bhlk', query, key) * scale
    attn = jax.nn.softmax(attn_scores.astype(jnp.float32), axis=-1).astype(value.dtype)
    out = jnp.einsum('bhlk,bhlkd->bhld', attn, value)
    attn_o = out.transpose(0, 2, 1, 3).reshape(b, L, N_HEAD * D_HEAD)
    return attn_o @ w_out

if __name__ == "__main__":
    import jax
    _d = setup_inputs()
    print(jax.jit(kernel)(*tuple(_d.values())))

</pallas_src>

<mosaic_0001>
#map = affine_map<(d0, d1) -> (0, 0)>
#map1 = affine_map<(d0, d1) -> (0)>
module attributes {stable_mosaic.version = 14 : i64} {
  func.func @gk(%arg0: i32, %arg1: i32, %arg2: memref<2048x256xf32, #tpu.memory_space<hbm>>, %arg3: memref<65536xi32, #tpu.memory_space<hbm>>, %arg4: memref<65536x256xf32, #tpu.memory_space<hbm>>, %arg5: memref<128xi32, #tpu.memory_space<vmem>>, %arg6: memref<128x256xf32, #tpu.memory_space<vmem>>, %arg7: memref<!tpu.dma_semaphore, #tpu.memory_space<semaphore_mem>>) attributes {dimension_semantics = [#tpu.dimension_semantics<core_parallel>, #tpu.dimension_semantics<subcore_parallel>], iteration_bounds = array<i64: 2, 16>, scalar_prefetch = 0 : i64, scratch_operands = 3 : i64, tpu.core_type = #tpu.core_type<sc_vector_subcore>, window_params = [{transform_indices = #map}, {transform_indices = #map1}, {transform_indices = #map}]} {
    %mul3A = arith.constant 2 : i32
    %mul3A_0 = arith.muli %arg1, %mul3A : i32
    %add3A = arith.addi %mul3A_0, %arg0 : i32
    %mul3A_1 = arith.constant 2048 : i32
    %mul3A_2 = arith.muli %add3A, %mul3A_1 : i32
    %scan3A = arith.constant 0 : i32
    %scan3A_3 = arith.constant 0 : i32
    %scan3A_4 = arith.constant 16 : i32
    %scan3A_5 = arith.addi %scan3A_3, %scan3A_4 : i32
    %scan3A_6 = arith.constant 1 : i32
    scf.for %scan3A_8 = %scan3A_3 to %scan3A_5 step %scan3A_6  : i32 {
      %mul3A_9 = arith.constant 128 : i32
      %mul3A_10 = arith.muli %scan3A_8, %mul3A_9 : i32
      %add3A_11 = arith.addi %mul3A_2, %mul3A_10 : i32
      "tpu.region"() ({
        %run_scoped3A = tpu.sem_alloc : memref<!tpu.dma_semaphore, #tpu.memory_space<semaphore_mem>>
        %dma_start3A_16 = tpu.memref_slice %arg3[%add3A_11] : memref<65536xi32, #tpu.memory_space<hbm>> -> memref<128xi32, #tpu.memory_space<hbm>>
        %dma_start3A_17 = tpu.memref_slice %arg3[%add3A_11] : memref<65536xi32, #tpu.memory_space<hbm>> -> memref<128xi32, #tpu.memory_space<hbm>>
        tpu.enqueue_dma source(%dma_start3A_17 : memref<128xi32, #tpu.memory_space<hbm>>) target(%arg5 : memref<128xi32, #tpu.memory_space<vmem>>) target_semaphore(%run_scoped3A : memref<!tpu.dma_semaphore, #tpu.memory_space<semaphore_mem>>)
        %dma_wait3A_18 = tpu.memref_slice %arg3[%add3A_11] : memref<65536xi32, #tpu.memory_space<hbm>> -> memref<128xi32, #tpu.memory_space<hbm>>
        %dma_wait3A_19 = tpu.memref_slice %arg3[%add3A_11] : memref<65536xi32, #tpu.memory_space<hbm>> -> memref<128xi32, #tpu.memory_space<hbm>>
        tpu.wait_dma2 semaphore(%run_scoped3A : memref<!tpu.dma_semaphore, #tpu.memory_space<semaphore_mem>>) src(%dma_wait3A_19 : memref<128xi32, #tpu.memory_space<hbm>>) dst(%arg5 : memref<128xi32, #tpu.memory_space<vmem>>)
        tpu.yield
      }) : () -> ()
      %dma_start3A = arith.constant 0 : i32
      %dma_start3A_12 = arith.constant 0 : i32
      %dma_start3A_13 = tpu.memref_slice %arg2[%dma_start3A, %dma_start3A_12] : memref<2048x256xf32, #tpu.memory_space<hbm>> -> memref<2048x256xf32, #tpu.memory_space<hbm>>
      tpu.enqueue_indirect_dma source(%dma_start3A_13 : memref<2048x256xf32, #tpu.memory_space<hbm>>) target(%arg6 : memref<128x256xf32, #tpu.memory_space<vmem>>) offsets(%arg5 : memref<128xi32, #tpu.memory_space<vmem>>) semaphore(%arg7 : memref<!tpu.dma_semaphore, #tpu.memory_space<semaphore_mem>>)
      %dma_wait3A = arith.constant 0 : i32
      %dma_wait3A_14 = arith.constant 0 : i32
      %dma_wait3A_15 = tpu.memref_slice %arg2[%dma_wait3A, %dma_wait3A_14] : memref<2048x256xf32, #tpu.memory_space<hbm>> -> memref<2048x256xf32, #tpu.memory_space<hbm>>
      tpu.wait_indirect_dma semaphore(%arg7 : memref<!tpu.dma_semaphore, #tpu.memory_space<semaphore_mem>>) src(%dma_wait3A_15 : memref<2048x256xf32, #tpu.memory_space<hbm>>) dst(%arg6 : memref<128x256xf32, #tpu.memory_space<vmem>>)
      "tpu.region"() ({
        %run_scoped3A = tpu.sem_alloc : memref<!tpu.dma_semaphore, #tpu.memory_space<semaphore_mem>>
        %dma_start3A_16 = arith.constant 0 : i32
        %dma_start3A_17 = tpu.memref_slice %arg4[%add3A_11, %dma_start3A_16] : memref<65536x256xf32, #tpu.memory_space<hbm>> -> memref<128x256xf32, #tpu.memory_space<hbm>>
        %dma_start3A_18 = arith.constant 0 : i32
        %dma_start3A_19 = tpu.memref_slice %arg4[%add3A_11, %dma_start3A_18] : memref<65536x256xf32, #tpu.memory_space<hbm>> -> memref<128x256xf32, #tpu.memory_space<hbm>>
        tpu.enqueue_dma source(%arg6 : memref<128x256xf32, #tpu.memory_space<vmem>>) target(%dma_start3A_19 : memref<128x256xf32, #tpu.memory_space<hbm>>) target_semaphore(%run_scoped3A : memref<!tpu.dma_semaphore, #tpu.memory_space<semaphore_mem>>)
        %dma_wait3A_20 = arith.constant 0 : i32
        %dma_wait3A_21 = tpu.memref_slice %arg4[%add3A_11, %dma_wait3A_20] : memref<65536x256xf32, #tpu.memory_space<hbm>> -> memref<128x256xf32, #tpu.memory_space<hbm>>
        %dma_wait3A_22 = arith.constant 0 : i32
        %dma_wait3A_23 = tpu.memref_slice %arg4[%add3A_11, %dma_wait3A_22] : memref<65536x256xf32, #tpu.memory_space<hbm>> -> memref<128x256xf32, #tpu.memory_space<hbm>>
        tpu.wait_dma2 semaphore(%run_scoped3A : memref<!tpu.dma_semaphore, #tpu.memory_space<semaphore_mem>>) src(%arg6 : memref<128x256xf32, #tpu.memory_space<vmem>>) dst(%dma_wait3A_23 : memref<128x256xf32, #tpu.memory_space<hbm>>)
        tpu.yield
      }) : () -> ()
    }
    %scan3A_7 = arith.constant 16 : i32
    return
  }
}

module attributes {stable_mosaic.version = 14 : i64} {
  func.func @_prep_body(%arg0: i32, %arg1: memref<256x768xf32, #tpu.memory_space<vmem>>, %arg2: memref<768x192xf32, #tpu.memory_space<vmem>>, %arg3: memref<768x32xf32, #tpu.memory_space<vmem>>, %arg4: memref<768x256xf32, #tpu.memory_space<vmem>>, %arg5: memref<256x512xf32, #tpu.memory_space<vmem>>, %arg6: memref<256x256xf32, #tpu.memory_space<vmem>>, %arg7: memref<192x512xf32, #tpu.memory_space<vmem>>, %arg8: memref<768x128xf32, #tpu.memory_space<vmem>>, %arg9: memref<768x64xf32, #tpu.memory_space<vmem>>, %arg10: memref<256x16xf32, #tpu.memory_space<vmem>>, %arg11: memref<256x16xf32, #tpu.memory_space<vmem>>, %arg12: memref<256x256xf32, #tpu.memory_space<vmem>>, %arg13: memref<256x1536xf32, #tpu.memory_space<vmem>>, %arg14: memref<256x256xf32, #tpu.memory_space<vmem>>, %arg15: memref<256x128xf32, #tpu.memory_space<vmem>>, %arg16: memref<256x64xf32, #tpu.memory_space<vmem>>) attributes {dimension_semantics = [#tpu.dimension_semantics<arbitrary>], iteration_bounds = array<i64: 8>, scalar_prefetch = 0 : i64, scratch_operands = 0 : i64, tpu.core_type = #tpu.core_type<tc>, window_params = [{transform_indices = @transform_0, window_bounds = array<i64: 256, 768>}, {pipeline_mode = #tpu.pipeline_mode<synchronous>, transform_indices = @transform_1, window_bounds = array<i64: 768, 192>}, {pipeline_mode = #tpu.pipeline_mode<synchronous>, transform_indices = @transform_2, window_bounds = array<i64: 768, 32>}, {pipeline_mode = #tpu.pipeline_mode<synchronous>, transform_indices = @transform_3, window_bounds = array<i64: 768, 256>}, {pipeline_mode = #tpu.pipeline_mode<synchronous>, transform_indices = @transform_4, window_bounds = array<i64: 256, 512>}, {pipeline_mode = #tpu.pipeline_mode<synchronous>, transform_indices = @transform_5, window_bounds = array<i64: 256, 256>}, {pipeline_mode = #tpu.pipeline_mode<synchronous>, transform_indices = @transform_6, window_bounds = array<i64: 192, 512>}, {pipeline_mode = #tpu.pipeline_mode<synchronous>, transform_indices = @transform_7, window_bounds = array<i64: 768, 128>}, {pipeline_mode = #tpu.pipeline_mode<synchronous>, transform_indices = @transform_8, window_bounds = array<i64: 768, 64>}, {transform_indices = @transform_9, window_bounds = array<i64: 256, 16>}, {transform_indices = @transform_10, window_bounds = array<i64: 256, 16>}, {transform_indices = @transform_11, window_bounds = array<i64: 256, 256>}, {transform_indices = @transform_12, window_bounds = array<i64: 256, 1536>}, {transform_indices = @transform_13, window_bounds = array<i64: 256, 256>}, {transform_indices = @transform_14, window_bounds = array<i64: 256, 128>}, {transform_indices = @transform_15, window_bounds = array<i64: 256, 64>}]} {
    %get3A = arith.constant 0 : index
    %get3A_0 = arith.constant 0 : index
    %get3A_1 = vector.load %arg1[%get3A, %get3A_0] : memref<256x768xf32, #tpu.memory_space<vmem>>, vector<256x768xf32>
    %get3A_2 = arith.constant 0 : index
    %get3A_3 = arith.constant 0 : index
    %get3A_4 = vector.load %arg2[%get3A_2, %get3A_3] : memref<768x192xf32, #tpu.memory_space<vmem>>, vector<768x192xf32>
    %dot_general3A = arith.constant dense<0.000000e+00> : vector<256x192xf32>
    %dot_general3A_5 = tpu.matmul %get3A_1, %get3A_4, %dot_general3A {dimension_numbers = #tpu.dot_dimension_numbers<[1], [0], [0], [1], [0, 0, 1, 1], [], []>, transpose_lhs_hint = false} : vector<256x768xf32>, vector<768x192xf32>, vector<256x192xf32> -> vector<256x192xf32>
    %get3A_6 = arith.constant 0 : index
    %get3A_7 = arith.constant 0 : index
    %get3A_8 = vector.load %arg3[%get3A_6, %get3A_7] : memref<768x32xf32, #tpu.memory_space<vmem>>, vector<768x32xf32>
    %dot_general3A_9 = arith.constant dense<0.000000e+00> : vector<256x32xf32>
    %dot_general3A_10 = tpu.matmul %get3A_1, %get3A_8, %dot_general3A_9 {dimension_numbers = #tpu.dot_dimension_numbers<[1], [0], [0], [1], [0, 0, 1, 1], [], []>, transpose_lhs_hint = false} : vector<256x768xf32>, vector<768x32xf32>, vector<256x32xf32> -> vector<256x32xf32>
    %max3A = arith.constant 0.000000e+00 : f32
    %max3A_11 = vector.broadcast %max3A : f32 to vector<256x32xf32>
    %max3A_12 = arith.maximumf %dot_general3A_10, %max3A_11 : vector<256x32xf32>
    %abs3A = math.absf %dot_general3A_10 : vector<256x32xf32>
    %neg3A = arith.constant 0.000000e+00 : f32
    %neg3A_13 = vector.broadcast %neg3A : f32 to vector<256x32xf32>
    %neg3A_14 = arith.subf %neg3A_13, %abs3A : vector<256x32xf32>
    %exp3A = math.exp %neg3A_14 : vector<256x32xf32>
    %add3A = arith.constant 1.000000e+00 : f32
    %add3A_15 = vector.broadcast %add3A : f32 to vector<256x32xf32>
    %add3A_16 = arith.addf %add3A_15, %exp3A : vector<256x32xf32>
    %log3A = math.log %add3A_16 : vector<256x32xf32>
    %add3A_17 = arith.addf %max3A_12, %log3A : vector<256x32xf32>
    %broadcast_in_dim3A = arith.constant 0.000000e+00 : f32
    %broadcast_in_dim3A_18 = vector.broadcast %broadcast_in_dim3A : f32 to vector<256x32xf32>
    %concatenate3A = tpu.concatenate %dot_general3A_5, %add3A_17, %broadcast_in_dim3A_18 in 1 : vector<256x192xf32>, vector<256x32xf32>, vector<256x32xf32> -> vector<256x256xf32>
    %swap3A = arith.constant 0 : index
    %swap3A_19 = arith.constant 0 : index
    %swap3A_20 = vector.load %arg12[%swap3A, %swap3A_19] : memref<256x256xf32, #tpu.memory_space<vmem>>, vector<256x256xf32>
    tpu.vector_store %arg12[%swap3A, %swap3A_19], %concatenate3A {strides = array<i32>} : memref<256x256xf32, #tpu.memory_space<vmem>>, vector<256x256xf32>,
    %get3A_21 = arith.constant 0 : index
    %get3A_22 = arith.constant 0 : index
    %get3A_23 = vector.load %arg4[%get3A_21, %get3A_22] : memref<768x256xf32, #tpu.memory_space<vmem>>, vector<768x256xf32>
    %dot_general3A_24 = arith.constant dense<0.000000e+00> : vector<256x256xf32>
    %dot_general3A_25 = tpu.matmul %get3A_1, %get3A_23, %dot_general3A_24 {dimension_numbers = #tpu.dot_dimension_numbers<[1], [0], [0], [1], [0, 0, 1, 1], [], []>, transpose_lhs_hint = false} : vector<256x768xf32>, vector<768x256xf32>, vector<256x256xf32> -> vector<256x256xf32>
    %get3A_26 = arith.constant 0 : index
    %get3A_27 = arith.constant 0 : index
    %get3A_28 = vector.load %arg5[%get3A_26, %get3A_27] : memref<256x512xf32, #tpu.memory_space<vmem>>, vector<256x512xf32>
    %dot_general3A_29 = arith.constant dense<0.000000e+00> : vector<256x512xf32>
    %dot_general3A_30 = tpu.matmul %dot_general3A_25, %get3A_28, %dot_general3A_29 {dimension_numbers = #tpu.dot_dimension_numbers<[1], [0], [0], [1], [0, 0, 1, 1], [], []>, transpose_lhs_hint = false} : vector<256x256xf32>, vector<256x512xf32>, vector<256x512xf32> -> vector<256x512xf32>
    %get3A_31 = arith.constant 0 : index
    %get3A_32 = arith.constant 0 : index
    %get3A_33 = vector.load %arg6[%get3A_31, %get3A_32] : memref<256x256xf32, #tpu.memory_space<vmem>>, vector<256x256xf32>
    %dot_general3A_34 = arith.constant dense<0.000000e+00> : vector<256x256xf32>
    %dot_general3A_35 = tpu.matmul %dot_general3A_25, %get3A_33, %dot_general3A_34 {dimension_numbers = #tpu.dot_dimension_numbers<[1], [0], [0], [1], [0, 0, 1, 1], [], []>, transpose_lhs_hint = false} : vector<256x256xf32>, vector<256x256xf32>, vector<256x256xf32> -> vector<256x256xf32>
    %get3A_36 = arith.constant 0 : index
    %get3A_37 = arith.constant 0 : index
    %get3A_38 = vector.load %arg7[%get3A_36, %get3A_37] : memref<192x512xf32, #tpu.memory_space<vmem>>, vector<192x512xf32>
    %get3A_39 = arith.constant 0 : index
    %get3A_40 = arith.constant 0 : index
    %get3A_41 = vector.load %arg10[%get3A_39, %get3A_40] : memref<256x16xf32, #tpu.memory_space<vmem>>, vector<256x16xf32>
    %get3A_42 = arith.constant 0 : index
    %get3A_43 = arith.constant 0 : index
    %get3A_44 = vector.load %arg11[%get3A_42, %get3A_43] : memref<256x16xf32, #tpu.memory_space<vmem>>, vector<256x16xf32>
    %slice3A = vector.extract_strided_slice %dot_general3A_30 {offsets = [0, 0], sizes = [256, 64], strides = [1, 1]} : vector<256x512xf32> to vector<256x64xf32>
    %slice3A_45 = vector.extract_strided_slice %get3A_38 {offsets = [0, 0], sizes = [192, 64], strides = [1, 1]} : vector<192x512xf32> to vector<192x64xf32>
    %dot_general3A_46 = arith.constant dense<0.000000e+00> : vector<256x192xf32>
    %dot_general3A_47 = tpu.matmul %slice3A, %slice3A_45, %dot_general3A_46 {dimension_numbers = #tpu.dot_dimension_numbers<[1], [1], [0], [0], [0, 0, 1, 0], [], []>, transpose_lhs_hint = false} : vector<256x64xf32>, vector<192x64xf32>, vector<256x192xf32> -> vector<256x192xf32>
    %slice3A_48 = vector.extract_strided_slice %dot_general3A_35 {offsets = [0, 0], sizes = [256, 32], strides = [1, 1]} : vector<256x256xf32> to vector<256x32xf32>
    %max3A_49 = arith.constant 0.000000e+00 : f32
    %max3A_50 = vector.broadcast %max3A_49 : f32 to vector<256x32xf32>
    %max3A_51 = arith.maximumf %slice3A_48, %max3A_50 : vector<256x32xf32>
    %abs3A_52 = math.absf %slice3A_48 : vector<256x32xf32>
    %neg3A_53 = arith.constant 0.000000e+00 : f32
    %neg3A_54 = vector.broadcast %neg3A_53 : f32 to vector<256x32xf32>
    %neg3A_55 = arith.subf %neg3A_54, %abs3A_52 : vector<256x32xf32>
    %exp3A_56 = math.exp %neg3A_55 : vector<256x32xf32>
    %add3A_57 = arith.constant 1.000000e+00 : f32
    %add3A_58 = vector.broadcast %add3A_57 : f32 to vector<256x32xf32>
    %add3A_59 = arith.addf %add3A_58, %exp3A_56 : vector<256x32xf32>
    %log3A_60 = math.log %add3A_59 : vector<256x32xf32>
    %add3A_61 = arith.addf %max3A_51, %log3A_60 : vector<256x32xf32>
    %slice3A_62 = vector.extract_strided_slice %add3A_61 {offsets = [0, 0], sizes = [256, 16], strides = [1, 1]} : vector<256x32xf32> to vector<256x16xf32>
    %slice3A_63 = vector.extract_strided_slice %add3A_61 {offsets = [0, 16], sizes = [256, 16], strides = [1, 1]} : vector<256x32xf32> to vector<256x16xf32>
    %mul3A = arith.mulf %slice3A_62, %get3A_41 : vector<256x16xf32>
    %mul3A_64 = arith.mulf %slice3A_63, %get3A_44 : vector<256x16xf32>
    %sub3A = arith.subf %mul3A, %mul3A_64 : vector<256x16xf32>
    %mul3A_65 = arith.mulf %slice3A_62, %get3A_44 : vector<256x16xf32>
    %mul3A_66 = arith.mulf %slice3A_63, %get3A_41 : vector<256x16xf32>
    %add3A_67 = arith.addf %mul3A_65, %mul3A_66 : vector<256x16xf32>
    %slice3A_68 = vector.extract_strided_slice %dot_general3A_30 {offsets = [0, 64], sizes = [256, 64], strides = [1, 1]} : vector<256x512xf32> to vector<256x64xf32>
    %slice3A_69 = vector.extract_strided_slice %get3A_38 {offsets = [0, 64], sizes = [192, 64], strides = [1, 1]} : vector<192x512xf32> to vector<192x64xf32>
    %dot_general3A_70 = arith.constant dense<0.000000e+00> : vector<256x192xf32>
    %dot_general3A_71 = tpu.matmul %slice3A_68, %slice3A_69, %dot_general3A_70 {dimension_numbers = #tpu.dot_dimension_numbers<[1], [1], [0], [0], [0, 0, 1, 0], [], []>, transpose_lhs_hint = false} : vector<256x64xf32>, vector<192x64xf32>, vector<256x192xf32> -> vector<256x192xf32>
    %slice3A_72 = vector.extract_strided_slice %dot_general3A_35 {offsets = [0, 32], sizes = [256, 32], strides = [1, 1]} : vector<256x256xf32> to vector<256x32xf32>
    %max3A_73 = arith.constant 0.000000e+00 : f32
    %max3A_74 = vector.broadcast %max3A_73 : f32 to vector<256x32xf32>
    %max3A_75 = arith.maximumf %slice3A_72, %max3A_74 : vector<256x32xf32>
    %abs3A_76 = math.absf %slice3A_72 : vector<256x32xf32>
    %neg3A_77 = arith.constant 0.000000e+00 : f32
    %neg3A_78 = vector.broadcast %neg3A_77 : f32 to vector<256x32xf32>
    %neg3A_79 = arith.subf %neg3A_78, %abs3A_76 : vector<256x32xf32>
    %exp3A_80 = math.exp %neg3A_79 : vector<256x32xf32>
    %add3A_81 = arith.constant 1.000000e+00 : f32
    %add3A_82 = vector.broadcast %add3A_81 : f32 to vector<256x32xf32>
    %add3A_83 = arith.addf %add3A_82, %exp3A_80 : vector<256x32xf32>
    %log3A_84 = math.log %add3A_83 : vector<256x32xf32>
    %add3A_85 = arith.addf %max3A_75, %log3A_84 : vector<256x32xf32>
    %slice3A_86 = vector.extract_strided_slice %add3A_85 {offsets = [0, 0], sizes = [256, 16], strides = [1, 1]} : vector<256x32xf32> to vector<256x16xf32>
    %slice3A_87 = vector.extract_strided_slice %add3A_85 {offsets = [0, 16], sizes = [256, 16], strides = [1, 1]} : vector<256x32xf32> to vector<256x16xf32>
    %mul3A_88 = arith.mulf %slice3A_86, %get3A_41 : vector<256x16xf32>
    %mul3A_89 = arith.mulf %slice3A_87, %get3A_44 : vector<256x16xf32>
    %sub3A_90 = arith.subf %mul3A_88, %mul3A_89 : vector<256x16xf32>
    %mul3A_91 = arith.mulf %slice3A_86, %get3A_44 : vector<256x16xf32>
    %mul3A_92 = arith.mulf %slice3A_87, %get3A_41 : vector<256x16xf32>
    %add3A_93 = arith.addf %mul3A_91, %mul3A_92 : vector<256x16xf32>
    %slice3A_94 = vector.extract_strided_slice %dot_general3A_30 {offsets = [0, 128], sizes = [256, 64], strides = [1, 1]} : vector<256x512xf32> to vector<256x64xf32>
    %slice3A_95 = vector.extract_strided_slice %get3A_38 {offsets = [0, 128], sizes = [192, 64], strides = [1, 1]} : vector<192x512xf32> to vector<192x64xf32>
    %dot_general3A_96 = arith.constant dense<0.000000e+00> : vector<256x192xf32>
    %dot_general3A_97 = tpu.matmul %slice3A_94, %slice3A_95, %dot_general3A_96 {dimension_numbers = #tpu.dot_dimension_numbers<[1], [1], [0], [0], [0, 0, 1, 0], [], []>, transpose_lhs_hint = false} : vector<256x64xf32>, vector<192x64xf32>, vector<256x192xf32> -> vector<256x192xf32>
    %slice3A_98 = vector.extract_strided_slice %dot_general3A_35 {offsets = [0, 64], sizes = [256, 32], strides = [1, 1]} : vector<256x256xf32> to vector<256x32xf32>
    %max3A_99 = arith.constant 0.000000e+00 : f32
    %max3A_100 = vector.broadcast %max3A_99 : f32 to vector<256x32xf32>
    %max3A_101 = arith.maximumf %slice3A_98, %max3A_100 : vector<256x32xf32>
    %abs3A_102 = math.absf %slice3A_98 : vector<256x32xf32>
    %neg3A_103 = arith.constant 0.000000e+00 : f32
    %neg3A_104 = vector.broadcast %neg3A_103 : f32 to vector<256x32xf32>
    %neg3A_105 = arith.subf %neg3A_104, %abs3A_102 : vector<256x32xf32>
    %exp3A_106 = math.exp %neg3A_105 : vector<256x32xf32>
    %add3A_107 = arith.constant 1.000000e+00 : f32
    %add3A_108 = vector.broadcast %add3A_107 : f32 to vector<256x32xf32>
    %add3A_109 = arith.addf %add3A_108, %exp3A_106 : vector<256x32xf32>
    %log3A_110 = math.log %add3A_109 : vector<256x32xf32>
    %add3A_111 = arith.addf %max3A_101, %log3A_110 : vector<256x32xf32>
    %slice3A_112 = vector.extract_strided_slice %add3A_111 {offsets = [0, 0], sizes = [256, 16], strides = [1, 1]} : vector<256x32xf32> to vector<256x16xf32>
    %slice3A_113 = vector.extract_strided_slice %add3A_111 {offsets = [0, 16], sizes = [256, 16], strides = [1, 1]} : vector<256x32xf32> to vector<256x16xf32>
    %mul3A_114 = arith.mulf %slice3A_112, %get3A_41 : vector<256x16xf32>
    %mul3A_115 = arith.mulf %slice3A_113, %get3A_44 : vector<256x16xf32>
    %sub3A_116 = arith.subf %mul3A_114, %mul3A_115 : vector<256x16xf32>
    %mul3A_117 = arith.mulf %slice3A_112, %get3A_44 : vector<256x16xf32>
    %mul3A_118 = arith.mulf %slice3A_113, %get3A_41 : vector<256x16xf32>
    %add3A_119 = arith.addf %mul3A_117, %mul3A_118 : vector<256x16xf32>
    %slice3A_120 = vector.extract_strided_slice %dot_general3A_30 {offsets = [0, 192], sizes = [256, 64], strides = [1, 1]} : vector<256x512xf32> to vector<256x64xf32>
    %slice3A_121 = vector.extract_strided_slice %get3A_38 {offsets = [0, 192], sizes = [192, 64], strides = [1, 1]} : vector<192x512xf32> to vector<192x64xf32>
    %dot_general3A_122 = arith.constant dense<0.000000e+00> : vector<256x192xf32>
    %dot_general3A_123 = tpu.matmul %slice3A_120, %slice3A_121, %dot_general3A_122 {dimension_numbers = #tpu.dot_dimension_numbers<[1], [1], [0], [0], [0, 0, 1, 0], [], []>, transpose_lhs_hint = false} : vector<256x64xf32>, vector<192x64xf32>, vector<256x192xf32> -> vector<256x192xf32>
    %slice3A_124 = vector.extract_strided_slice %dot_general3A_35 {offsets = [0, 96], sizes = [256, 32], strides = [1, 1]} : vector<256x256xf32> to vector<256x32xf32>
    %max3A_125 = arith.constant 0.000000e+00 : f32
    %max3A_126 = vector.broadcast %max3A_125 : f32 to vector<256x32xf32>
    %max3A_127 = arith.maximumf %slice3A_124, %max3A_126 : vector<256x32xf32>
    %abs3A_128 = math.absf %slice3A_124 : vector<256x32xf32>
    %neg3A_129 = arith.constant 0.000000e+00 : f32
    %neg3A_130 = vector.broadcast %neg3A_129 : f32 to vector<256x32xf32>
    %neg3A_131 = arith.subf %neg3A_130, %abs3A_128 : vector<256x32xf32>
    %exp3A_132 = math.exp %neg3A_131 : vector<256x32xf32>
    %add3A_133 = arith.constant 1.000000e+00 : f32
    %add3A_134 = vector.broadcast %add3A_133 : f32 to vector<256x32xf32>
    %add3A_135 = arith.addf %add3A_134, %exp3A_132 : vector<256x32xf32>
    %log3A_136 = math.log %add3A_135 : vector<256x32xf32>
    %add3A_137 = arith.addf %max3A_127, %log3A_136 : vector<256x32xf32>
    %slice3A_138 = vector.extract_strided_slice %add3A_137 {offsets = [0, 0], sizes = [256, 16], strides = [1, 1]} : vector<256x32xf32> to vector<256x16xf32>
    %slice3A_139 = vector.extract_strided_slice %add3A_137 {offsets = [0, 16], sizes = [256, 16], strides = [1, 1]} : vector<256x32xf32> to vector<256x16xf32>
    %mul3A_140 = arith.mulf %slice3A_138, %get3A_41 : vector<256x16xf32>
    %mul3A_141 = arith.mulf %slice3A_139, %get3A_44 : vector<256x16xf32>
    %sub3A_142 = arith.subf %mul3A_140, %mul3A_141 : vector<256x16xf32>
    %mul3A_143 = arith.mulf %slice3A_138, %get3A_44 : vector<256x16xf32>
    %mul3A_144 = arith.mulf %slice3A_139, %get3A_41 : vector<256x16xf32>
    %add3A_145 = arith.addf %mul3A_143, %mul3A_144 : vector<256x16xf32>
    %slice3A_146 = vector.extract_strided_slice %dot_general3A_30 {offsets = [0, 256], sizes = [256, 64], strides = [1, 1]} : vector<256x512xf32> to vector<256x64xf32>
    %slice3A_147 = vector.extract_strided_slice %get3A_38 {offsets = [0, 256], sizes = [192, 64], strides = [1, 1]} : vector<192x512xf32> to vector<192x64xf32>
    %dot_general3A_148 = arith.constant dense<0.000000e+00> : vector<256x192xf32>
    %dot_general3A_149 = tpu.matmul %slice3A_146, %slice3A_147, %dot_general3A_148 {dimension_numbers = #tpu.dot_dimension_numbers<[1], [1], [0], [0], [0, 0, 1, 0], [], []>, transpose_lhs_hint = false} : vector<256x64xf32>, vector<192x64xf32>, vector<256x192xf32> -> vector<256x192xf32>
    %slice3A_150 = vector.extract_strided_slice %dot_general3A_35 {offsets = [0, 128], sizes = [256, 32], strides = [1, 1]} : vector<256x256xf32> to vector<256x32xf32>
    %max3A_151 = arith.constant 0.000000e+00 : f32
    %max3A_152 = vector.broadcast %max3A_151 : f32 to vector<256x32xf32>
    %max3A_153 = arith.maximumf %slice3A_150, %max3A_152 : vector<256x32xf32>
    %abs3A_154 = math.absf %slice3A_150 : vector<256x32xf32>
    %neg3A_155 = arith.constant 0.000000e+00 : f32
    %neg3A_156 = vector.broadcast %neg3A_155 : f32 to vector<256x32xf32>
    %neg3A_157 = arith.subf %neg3A_156, %abs3A_154 : vector<256x32xf32>
    %exp3A_158 = math.exp %neg3A_157 : vector<256x32xf32>
    %add3A_159 = arith.constant 1.000000e+00 : f32
    %add3A_160 = vector.broadcast %add3A_159 : f32 to vector<256x32xf32>
    %add3A_161 = arith.addf %add3A_160, %exp3A_158 : vector<256x32xf32>
    %log3A_162 = math.log %add3A_161 : vector<256x32xf32>
    %add3A_163 = arith.addf %max3A_153, %log3A_162 : vector<256x32xf32>
    %slice3A_164 = vector.extract_strided_slice %add3A_163 {offsets = [0, 0], sizes = [256, 16], strides = [1, 1]} : vector<256x32xf32> to vector<256x16xf32>
    %slice3A_165 = vector.extract_strided_slice %add3A_163 {offsets = [0, 16], sizes = [256, 16], strides = [1, 1]} : vector<256x32xf32> to vector<256x16xf32>
    %mul3A_166 = arith.mulf %slice3A_164, %get3A_41 : vector<256x16xf32>
    %mul3A_167 = arith.mulf %slice3A_165, %get3A_44 : vector<256x16xf32>
    %sub3A_168 = arith.subf %mul3A_166, %mul3A_167 : vector<256x16xf32>
    %mul3A_169 = arith.mulf %slice3A_164, %get3A_44 : vector<256x16xf32>
    %mul3A_170 = arith.mulf %slice3A_165, %get3A_41 : vector<256x16xf32>
    %add3A_171 = arith.addf %mul3A_169, %mul3A_170 : vector<256x16xf32>
    %slice3A_172 = vector.extract_strided_slice %dot_general3A_30 {offsets = [0, 320], sizes = [256, 64], strides = [1, 1]} : vector<256x512xf32> to vector<256x64xf32>
    %slice3A_173 = vector.extract_strided_slice %get3A_38 {offsets = [0, 320], sizes = [192, 64], strides = [1, 1]} : vector<192x512xf32> to vector<192x64xf32>
    %dot_general3A_174 = arith.constant dense<0.000000e+00> : vector<256x192xf32>
    %dot_general3A_175 = tpu.matmul %slice3A_172, %slice3A_173, %dot_general3A_174 {dimension_numbers = #tpu.dot_dimension_numbers<[1], [1], [0], [0], [0, 0, 1, 0], [], []>, transpose_lhs_hint = false} : vector<256x64xf32>, vector<192x64xf32>, vector<256x192xf32> -> vector<256x192xf32>
    %slice3A_176 = vector.extract_strided_slice %dot_general3A_35 {offsets = [0, 160], sizes = [256, 32], strides = [1, 1]} : vector<256x256xf32> to vector<256x32xf32>
    %max3A_177 = arith.constant 0.000000e+00 : f32
    %max3A_178 = vector.broadcast %max3A_177 : f32 to vector<256x32xf32>
    %max3A_179 = arith.maximumf %slice3A_176, %max3A_178 : vector<256x32xf32>
    %abs3A_180 = math.absf %slice3A_176 : vector<256x32xf32>
    %neg3A_181 = arith.constant 0.000000e+00 : f32
    %neg3A_182 = vector.broadcast %neg3A_181 : f32 to vector<256x32xf32>
    %neg3A_183 = arith.subf %neg3A_182, %abs3A_180 : vector<256x32xf32>
    %exp3A_184 = math.exp %neg3A_183 : vector<256x32xf32>
    %add3A_185 = arith.constant 1.000000e+00 : f32
    %add3A_186 = vector.broadcast %add3A_185 : f32 to vector<256x32xf32>
    %add3A_187 = arith.addf %add3A_186, %exp3A_184 : vector<256x32xf32>
    %log3A_188 = math.log %add3A_187 : vector<256x32xf32>
    %add3A_189 = arith.addf %max3A_179, %log3A_188 : vector<256x32xf32>
    %slice3A_190 = vector.extract_strided_slice %add3A_189 {offsets = [0, 0], sizes = [256, 16], strides = [1, 1]} : vector<256x32xf32> to vector<256x16xf32>
    %slice3A_191 = vector.extract_strided_slice %add3A_189 {offsets = [0, 16], sizes = [256, 16], strides = [1, 1]} : vector<256x32xf32> to vector<256x16xf32>
    %mul3A_192 = arith.mulf %slice3A_190, %get3A_41 : vector<256x16xf32>
    %mul3A_193 = arith.mulf %slice3A_191, %get3A_44 : vector<256x16xf32>
    %sub3A_194 = arith.subf %mul3A_192, %mul3A_193 : vector<256x16xf32>
    %mul3A_195 = arith.mulf %slice3A_190, %get3A_44 : vector<256x16xf32>
    %mul3A_196 = arith.mulf %slice3A_191, %get3A_41 : vector<256x16xf32>
    %add3A_197 = arith.addf %mul3A_195, %mul3A_196 : vector<256x16xf32>
    %slice3A_198 = vector.extract_strided_slice %dot_general3A_30 {offsets = [0, 384], sizes = [256, 64], strides = [1, 1]} : vector<256x512xf32> to vector<256x64xf32>
    %slice3A_199 = vector.extract_strided_slice %get3A_38 {offsets = [0, 384], sizes = [192, 64], strides = [1, 1]} : vector<192x512xf32> to vector<192x64xf32>
    %dot_general3A_200 = arith.constant dense<0.000000e+00> : vector<256x192xf32>
    %dot_general3A_201 = tpu.matmul %slice3A_198, %slice3A_199, %dot_general3A_200 {dimension_numbers = #tpu.dot_dimension_numbers<[1], [1], [0], [0], [0, 0, 1, 0], [], []>, transpose_lhs_hint = false} : vector<256x64xf32>, vector<192x64xf32>, vector<256x192xf32> -> vector<256x192xf32>
    %slice3A_202 = vector.extract_strided_slice %dot_general3A_35 {offsets = [0, 192], sizes = [256, 32], strides = [1, 1]} : vector<256x256xf32> to vector<256x32xf32>
    %max3A_203 = arith.constant 0.000000e+00 : f32
    %max3A_204 = vector.broadcast %max3A_203 : f32 to vector<256x32xf32>
    %max3A_205 = arith.maximumf %slice3A_202, %max3A_204 : vector<256x32xf32>
    %abs3A_206 = math.absf %slice3A_202 : vector<256x32xf32>
    %neg3A_207 = arith.constant 0.000000e+00 : f32
    %neg3A_208 = vector.broadcast %neg3A_207 : f32 to vector<256x32xf32>
    %neg3A_209 = arith.subf %neg3A_208, %abs3A_206 : vector<256x32xf32>
    %exp3A_210 = math.exp %neg3A_209 : vector<256x32xf32>
    %add3A_211 = arith.constant 1.000000e+00 : f32
    %add3A_212 = vector.broadcast %add3A_211 : f32 to vector<256x32xf32>
    %add3A_213 = arith.addf %add3A_212, %exp3A_210 : vector<256x32xf32>
    %log3A_214 = math.log %add3A_213 : vector<256x32xf32>
    %add3A_215 = arith.addf %max3A_205, %log3A_214 : vector<256x32xf32>
    %slice3A_216 = vector.extract_strided_slice %add3A_215 {offsets = [0, 0], sizes = [256, 16], strides = [1, 1]} : vector<256x32xf32> to vector<256x16xf32>
    %slice3A_217 = vector.extract_strided_slice %add3A_215 {offsets = [0, 16], sizes = [256, 16], strides = [1, 1]} : vector<256x32xf32> to vector<256x16xf32>
    %mul3A_218 = arith.mulf %slice3A_216, %get3A_41 : vector<256x16xf32>
    %mul3A_219 = arith.mulf %slice3A_217, %get3A_44 : vector<256x16xf32>
    %sub3A_220 = arith.subf %mul3A_218, %mul3A_219 : vector<256x16xf32>
    %mul3A_221 = arith.mulf %slice3A_216, %get3A_44 : vector<256x16xf32>
    %mul3A_222 = arith.mulf %slice3A_217, %get3A_41 : vector<256x16xf32>
    %add3A_223 = arith.addf %mul3A_221, %mul3A_222 : vector<256x16xf32>
    %slice3A_224 = vector.extract_strided_slice %dot_general3A_30 {offsets = [0, 448], sizes = [256, 64], strides = [1, 1]} : vector<256x512xf32> to vector<256x64xf32>
    %slice3A_225 = vector.extract_strided_slice %get3A_38 {offsets = [0, 448], sizes = [192, 64], strides = [1, 1]} : vector<192x512xf32> to vector<192x64xf32>
    %dot_general3A_226 = arith.constant dense<0.000000e+00> : vector<256x192xf32>
    %dot_general3A_227 = tpu.matmul %slice3A_224, %slice3A_225, %dot_general3A_226 {dimension_numbers = #tpu.dot_dimension_numbers<[1], [1], [0], [0], [0, 0, 1, 0], [], []>, transpose_lhs_hint = false} : vector<256x64xf32>, vector<192x64xf32>, vector<256x192xf32> -> vector<256x192xf32>
    %slice3A_228 = vector.extract_strided_slice %dot_general3A_35 {offsets = [0, 224], sizes = [256, 32], strides = [1, 1]} : vector<256x256xf32> to vector<256x32xf32>
    %max3A_229 = arith.constant 0.000000e+00 : f32
    %max3A_230 = vector.broadcast %max3A_229 : f32 to vector<256x32xf32>
    %max3A_231 = arith.maximumf %slice3A_228, %max3A_230 : vector<256x32xf32>
    %abs3A_232 = math.absf %slice3A_228 : vector<256x32xf32>
    %neg3A_233 = arith.constant 0.000000e+00 : f32
    %neg3A_234 = vector.broadcast %neg3A_233 : f32 to vector<256x32xf32>
    %neg3A_235 = arith.subf %neg3A_234, %abs3A_232 : vector<256x32xf32>
    %exp3A_236 = math.exp %neg3A_235 : vector<256x32xf32>
    %add3A_237 = arith.constant 1.000000e+00 : f32
    %add3A_238 = vector.broadcast %add3A_237 : f32 to vector<256x32xf32>
    %add3A_239 = arith.addf %add3A_238, %exp3A_236 : vector<256x32xf32>
    %log3A_240 = math.log %add3A_239 : vector<256x32xf32>
    %add3A_241 = arith.addf %max3A_231, %log3A_240 : vector<256x32xf32>
    %slice3A_242 = vector.extract_strided_slice %add3A_241 {offsets = [0, 0], sizes = [256, 16], strides = [1, 1]} : vector<256x32xf32> to vector<256x16xf32>
    %slice3A_243 = vector.extract_strided_slice %add3A_241 {offsets = [0, 16], sizes = [256, 16], strides = [1, 1]} : vector<256x32xf32> to vector<256x16xf32>
    %mul3A_244 = arith.mulf %slice3A_242, %get3A_41 : vector<256x16xf32>
    %mul3A_245 = arith.mulf %slice3A_243, %get3A_44 : vector<256x16xf32>
    %sub3A_246 = arith.subf %mul3A_244, %mul3A_245 : vector<256x16xf32>
    %mul3A_247 = arith.mulf %slice3A_242, %get3A_44 : vector<256x16xf32>
    %mul3A_248 = arith.mulf %slice3A_243, %get3A_41 : vector<256x16xf32>
    %add3A_249 = arith.addf %mul3A_247, %mul3A_248 : vector<256x16xf32>
    %concatenate3A_250 = tpu.concatenate %dot_general3A_47, %dot_general3A_71, %dot_general3A_97, %dot_general3A_123, %dot_general3A_149, %dot_general3A_175, %dot_general3A_201, %dot_general3A_227 in 1 : vector<256x192xf32>, vector<256x192xf32>, vector<256x192xf32>, vector<256x192xf32>, vector<256x192xf32>, vector<256x192xf32>, vector<256x192xf32>, vector<256x192xf32> -> vector<256x1536xf32>
    %swap3A_251 = arith.constant 0 : index
    %swap3A_252 = arith.constant 0 : index
    %swap3A_253 = vector.load %arg13[%swap3A_251, %swap3A_252] : memref<256x1536xf32, #tpu.memory_space<vmem>>, vector<256x1536xf32>
    tpu.vector_store %arg13[%swap3A_251, %swap3A_252], %concatenate3A_250 {strides = array<i32>} : memref<256x1536xf32, #tpu.memory_space<vmem>>, vector<256x1536xf32>,
    %concatenate3A_254 = tpu.concatenate %sub3A, %add3A_67, %sub3A_90, %add3A_93, %sub3A_116, %add3A_119, %sub3A_142, %add3A_145, %sub3A_168, %add3A_171, %sub3A_194, %add3A_197, %sub3A_220, %add3A_223, %sub3A_246, %add3A_249 in 1 : vector<256x16xf32>, vector<256x16xf32>, vector<256x16xf32>, vector<256x16xf32>, vector<256x16xf32>, vector<256x16xf32>, vector<256x16xf32>, vector<256x16xf32>, vector<256x16xf32>, vector<256x16xf32>, vector<256x16xf32>, vector<256x16xf32>, vector<256x16xf32>, vector<256x16xf32>, vector<256x16xf32>, vector<256x16xf32> -> vector<256x256xf32>
    %swap3A_255 = arith.constant 0 : index
    %swap3A_256 = arith.constant 0 : index
    %swap3A_257 = vector.load %arg14[%swap3A_255, %swap3A_256] : memref<256x256xf32, #tpu.memory_space<vmem>>, vector<256x256xf32>
    tpu.vector_store %arg14[%swap3A_255, %swap3A_256], %concatenate3A_254 {strides = array<i32>} : memref<256x256xf32, #tpu.memory_space<vmem>>, vector<256x256xf32>,
    %get3A_258 = arith.constant 0 : index
    %get3A_259 = arith.constant 0 : index
    %get3A_260 = vector.load %arg8[%get3A_258, %get3A_259] : memref<768x128xf32, #tpu.memory_space<vmem>>, vector<768x128xf32>
    %dot_general3A_261 = arith.constant dense<0.000000e+00> : vector<256x128xf32>
    %dot_general3A_262 = tpu.matmul %get3A_1, %get3A_260, %dot_general3A_261 {dimension_numbers = #tpu.dot_dimension_numbers<[1], [0], [0], [1], [0, 0, 1, 1], [], []>, transpose_lhs_hint = false} : vector<256x768xf32>, vector<768x128xf32>, vector<256x128xf32> -> vector<256x128xf32>
    %swap3A_263 = arith.constant 0 : index
    %swap3A_264 = arith.constant 0 : index
    %swap3A_265 = vector.load %arg15[%swap3A_263, %swap3A_264] : memref<256x128xf32, #tpu.memory_space<vmem>>, vector<256x128xf32>
    tpu.vector_store %arg15[%swap3A_263, %swap3A_264], %dot_general3A_262 {strides = array<i32>} : memref<256x128xf32, #tpu.memory_space<vmem>>, vector<256x128xf32>,
    %get3A_266 = arith.constant 0 : index
    %get3A_267 = arith.constant 0 : index
    %get3A_268 = vector.load %arg9[%get3A_266, %get3A_267] : memref<768x64xf32, #tpu.memory_space<vmem>>, vector<768x64xf32>
    %dot_general3A_269 = arith.constant dense<0.000000e+00> : vector<256x64xf32>
    %dot_general3A_270 = tpu.matmul %get3A_1, %get3A_268, %dot_general3A_269 {dimension_numbers = #tpu.dot_dimension_numbers<[1], [0], [0], [1], [0, 0, 1, 1], [], []>, transpose_lhs_hint = false} : vector<256x768xf32>, vector<768x64xf32>, vector<256x64xf32> -> vector<256x64xf32>
    %swap3A_271 = arith.constant 0 : index
    %swap3A_272 = arith.constant 0 : index
    %swap3A_273 = vector.load %arg16[%swap3A_271, %swap3A_272] : memref<256x64xf32, #tpu.memory_space<vmem>>, vector<256x64xf32>
    tpu.vector_store %arg16[%swap3A_271, %swap3A_272], %dot_general3A_270 {strides = array<i32>} : memref<256x64xf32, #tpu.memory_space<vmem>>, vector<256x64xf32>,
    return
  }
  func.func @transform_0(%arg0: i32) -> (i32, i32) {
    %c0_i32 = arith.constant 0 : i32
    %c0_i32_0 = arith.constant 0 : i32
    return %arg0, %c0_i32 : i32, i32
  }
  func.func @transform_1(%arg0: i32) -> (i32, i32) {
    %c0_i32 = arith.constant 0 : i32
    %c0_i32_0 = arith.constant 0 : i32
    %c0_i32_1 = arith.constant 0 : i32
    return %c0_i32, %c0_i32_0 : i32, i32
  }
  func.func @transform_2(%arg0: i32) -> (i32, i32) {
    %c0_i32 = arith.constant 0 : i32
    %c0_i32_0 = arith.constant 0 : i32
    %c0_i32_1 = arith.constant 0 : i32
    return %c0_i32, %c0_i32_0 : i32, i32
  }
  func.func @transform_3(%arg0: i32) -> (i32, i32) {
    %c0_i32 = arith.constant 0 : i32
    %c0_i32_0 = arith.constant 0 : i32
    %c0_i32_1 = arith.constant 0 : i32
    return %c0_i32, %c0_i32_0 : i32, i32
  }
  func.func @transform_4(%arg0: i32) -> (i32, i32) {
    %c0_i32 = arith.constant 0 : i32
    %c0_i32_0 = arith.constant 0 : i32
    %c0_i32_1 = arith.constant 0 : i32
    return %c0_i32, %c0_i32_0 : i32, i32
  }
  func.func @transform_5(%arg0: i32) -> (i32, i32) {
    %c0_i32 = arith.constant 0 : i32
    %c0_i32_0 = arith.constant 0 : i32
    %c0_i32_1 = arith.constant 0 : i32
    return %c0_i32, %c0_i32_0 : i32, i32
  }
  func.func @transform_6(%arg0: i32) -> (i32, i32) {
    %c0_i32 = arith.constant 0 : i32
    %c0_i32_0 = arith.constant 0 : i32
    %c0_i32_1 = arith.constant 0 : i32
    return %c0_i32, %c0_i32_0 : i32, i32
  }
  func.func @transform_7(%arg0: i32) -> (i32, i32) {
    %c0_i32 = arith.constant 0 : i32
    %c0_i32_0 = arith.constant 0 : i32
    %c0_i32_1 = arith.constant 0 : i32
    return %c0_i32, %c0_i32_0 : i32, i32
  }
  func.func @transform_8(%arg0: i32) -> (i32, i32) {
    %c0_i32 = arith.constant 0 : i32
    %c0_i32_0 = arith.constant 0 : i32
    %c0_i32_1 = arith.constant 0 : i32
    return %c0_i32, %c0_i32_0 : i32, i32
  }
  func.func @transform_9(%arg0: i32) -> (i32, i32) {
    %c0_i32 = arith.constant 0 : i32
    %c0_i32_0 = arith.constant 0 : i32
    return %arg0, %c0_i32 : i32, i32
  }
  func.func @transform_10(%arg0: i32) -> (i32, i32) {
    %c0_i32 = arith.constant 0 : i32
    %c0_i32_0 = arith.constant 0 : i32
    return %arg0, %c0_i32 : i32, i32
  }
  func.func @transform_11(%arg0: i32) -> (i32, i32) {
    %c0_i32 = arith.constant 0 : i32
    %c0_i32_0 = arith.constant 0 : i32
    return %arg0, %c0_i32 : i32, i32
  }
  func.func @transform_12(%arg0: i32) -> (i32, i32) {
    %c0_i32 = arith.constant 0 : i32
    %c0_i32_0 = arith.constant 0 : i32
    return %arg0, %c0_i32 : i32, i32
  }
  func.func @transform_13(%arg0: i32) -> (i32, i32) {
    %c0_i32 = arith.constant 0 : i32
    %c0_i32_0 = arith.constant 0 : i32
    return %arg0, %c0_i32 : i32, i32
  }
  func.func @transform_14(%arg0: i32) -> (i32, i32) {
    %c0_i32 = arith.constant 0 : i32
    %c0_i32_0 = arith.constant 0 : i32
    return %arg0, %c0_i32 : i32, i32
  }
  func.func @transform_15(%arg0: i32) -> (i32, i32) {
    %c0_i32 = arith.constant 0 : i32
    %c0_i32_0 = arith.constant 0 : i32
    return %arg0, %c0_i32 : i32, i32
  }
}

module attributes {stable_mosaic.version = 14 : i64} {
  func.func @_topk_body(%arg0: i32, %arg1: memref<256x128xf32, #tpu.memory_space<vmem>>, %arg2: memref<2048x64xf32, #tpu.memory_space<vmem>>, %arg3: memref<1x2xf32, #tpu.memory_space<vmem>>, %arg4: memref<256x32xi32, #tpu.memory_space<vmem>>) attributes {dimension_semantics = [#tpu.dimension_semantics<arbitrary>], iteration_bounds = array<i64: 8>, scalar_prefetch = 0 : i64, scratch_operands = 0 : i64, tpu.core_type = #tpu.core_type<tc>, window_params = [{transform_indices = @transform_0, window_bounds = array<i64: 256, 128>}, {pipeline_mode = #tpu.pipeline_mode<synchronous>, transform_indices = @transform_1, window_bounds = array<i64: 2048, 64>}, {pipeline_mode = #tpu.pipeline_mode<synchronous>, transform_indices = @transform_2, window_bounds = array<i64: 1, 2>}, {transform_indices = @transform_3, window_bounds = array<i64: 256, 32>}]} {
    %get3A = arith.constant 0 : index
    %get3A_0 = arith.constant 0 : index
    %get3A_1 = vector.load %arg1[%get3A, %get3A_0] : memref<256x128xf32, #tpu.memory_space<vmem>>, vector<256x128xf32>
    %get3A_2 = arith.constant 0 : index
    %get3A_3 = arith.constant 0 : index
    %get3A_4 = vector.load %arg2[%get3A_2, %get3A_3] : memref<2048x64xf32, #tpu.memory_space<vmem>>, vector<2048x64xf32>
    %get3A_5 = arith.constant 0 : index
    %get3A_6 = arith.constant 0 : index
    %get3A_7 = vector.load %arg3[%get3A_5, %get3A_6] : memref<1x2xf32, #tpu.memory_space<vmem>>, vector<1x2xf32>
    %broadcast_in_dim3A = arith.constant 0.000000e+00 : f32
    %broadcast_in_dim3A_8 = vector.broadcast %broadcast_in_dim3A : f32 to vector<256x2048xf32>
    %slice3A = vector.extract_strided_slice %get3A_1 {offsets = [0, 0], sizes = [256, 64], strides = [1, 1]} : vector<256x128xf32> to vector<256x64xf32>
    %dot_general3A = arith.constant dense<0.000000e+00> : vector<256x2048xf32>
    %dot_general3A_9 = tpu.matmul %slice3A, %get3A_4, %dot_general3A {dimension_numbers = #tpu.dot_dimension_numbers<[1], [1], [0], [0], [0, 0, 1, 0], [], []>, transpose_lhs_hint = false} : vector<256x64xf32>, vector<2048x64xf32>, vector<256x2048xf32> -> vector<256x2048xf32>
    %max3A = arith.constant 0.000000e+00 : f32
    %max3A_10 = vector.broadcast %max3A : f32 to vector<256x2048xf32>
    %max3A_11 = arith.maximumf %dot_general3A_9, %max3A_10 : vector<256x2048xf32>
    %convert_element_type3A = arith.truncf %max3A_11 : vector<256x2048xf32> to vector<256x2048xbf16>
    %convert_element_type3A_12 = arith.extf %convert_element_type3A : vector<256x2048xbf16> to vector<256x2048xf32>
    %slice3A_13 = vector.extract_strided_slice %get3A_7 {offsets = [0, 0], sizes = [1, 1], strides = [1, 1]} : vector<1x2xf32> to vector<1x1xf32>
    %convert_element_type3A_14 = arith.truncf %slice3A_13 : vector<1x1xf32> to vector<1x1xbf16>
    %convert_element_type3A_15 = arith.extf %convert_element_type3A_14 : vector<1x1xbf16> to vector<1x1xf32>
    %mul3A = vector.broadcast %convert_element_type3A_15 : vector<1x1xf32> to vector<256x2048xf32>
    %mul3A_16 = arith.mulf %convert_element_type3A_12, %mul3A : vector<256x2048xf32>
    %add3A = arith.addf %broadcast_in_dim3A_8, %mul3A_16 : vector<256x2048xf32>
    %slice3A_17 = vector.extract_strided_slice %get3A_1 {offsets = [0, 64], sizes = [256, 64], strides = [1, 1]} : vector<256x128xf32> to vector<256x64xf32>
    %dot_general3A_18 = arith.constant dense<0.000000e+00> : vector<256x2048xf32>
    %dot_general3A_19 = tpu.matmul %slice3A_17, %get3A_4, %dot_general3A_18 {dimension_numbers = #tpu.dot_dimension_numbers<[1], [1], [0], [0], [0, 0, 1, 0], [], []>, transpose_lhs_hint = false} : vector<256x64xf32>, vector<2048x64xf32>, vector<256x2048xf32> -> vector<256x2048xf32>
    %max3A_20 = arith.constant 0.000000e+00 : f32
    %max3A_21 = vector.broadcast %max3A_20 : f32 to vector<256x2048xf32>
    %max3A_22 = arith.maximumf %dot_general3A_19, %max3A_21 : vector<256x2048xf32>
    %convert_element_type3A_23 = arith.truncf %max3A_22 : vector<256x2048xf32> to vector<256x2048xbf16>
    %convert_element_type3A_24 = arith.extf %convert_element_type3A_23 : vector<256x2048xbf16> to vector<256x2048xf32>
    %slice3A_25 = vector.extract_strided_slice %get3A_7 {offsets = [0, 1], sizes = [1, 1], strides = [1, 1]} : vector<1x2xf32> to vector<1x1xf32>
    %convert_element_type3A_26 = arith.truncf %slice3A_25 : vector<1x1xf32> to vector<1x1xbf16>
    %convert_element_type3A_27 = arith.extf %convert_element_type3A_26 : vector<1x1xbf16> to vector<1x1xf32>
    %mul3A_28 = vector.broadcast %convert_element_type3A_27 : vector<1x1xf32> to vector<256x2048xf32>
    %mul3A_29 = arith.mulf %convert_element_type3A_24, %mul3A_28 : vector<256x2048xf32>
    %add3A_30 = arith.addf %add3A, %mul3A_29 : vector<256x2048xf32>
    %mul3A_31 = arith.constant 256 : i32
    %mul3A_32 = arith.muli %arg0, %mul3A_31 : i32
    %iota3A = tpu.iota {dimensions = array<i32: 0>} : vector<256x2048xi32>
    %add3A_33 = vector.broadcast %mul3A_32 : i32 to vector<256x2048xi32>
    %add3A_34 = arith.addi %add3A_33, %iota3A : vector<256x2048xi32>
    %iota3A_35 = tpu.iota {dimensions = array<i32: 1>} : vector<256x2048xi32>
    %mul3A_36 = arith.constant 256 : i32
    %mul3A_37 = arith.muli %arg0, %mul3A_36 : i32
    %iota3A_38 = tpu.iota {dimensions = array<i32: 0>} : vector<256x16xi32>
    %add3A_39 = vector.broadcast %mul3A_37 : i32 to vector<256x16xi32>
    %add3A_40 = arith.addi %add3A_39, %iota3A_38 : vector<256x16xi32>
    %iota3A_41 = tpu.iota {dimensions = array<i32: 1>} : vector<256x16xi32>
    %sub3A = arith.constant 15 : i32
    %sub3A_42 = vector.broadcast %sub3A : i32 to vector<256x16xi32>
    %sub3A_43 = arith.subi %add3A_40, %sub3A_42 : vector<256x16xi32>
    %max3A_44 = arith.constant 0 : i32
    %max3A_45 = vector.broadcast %max3A_44 : i32 to vector<256x16xi32>
    %max3A_46 = arith.maxsi %sub3A_43, %max3A_45 : vector<256x16xi32>
    %add3A_47 = arith.addi %iota3A_41, %max3A_46 : vector<256x16xi32>
    %bitcast_convert_type3A = tpu.bitcast %add3A_30 : vector<256x2048xf32> -> vector<256x2048xi32>
    %lt3A = arith.constant 0 : i32
    %lt3A_48 = vector.broadcast %lt3A : i32 to vector<256x2048xi32>
    %lt3A_49 = arith.cmpi slt, %bitcast_convert_type3A, %lt3A_48 : vector<256x2048xi32>
    %xor3A = arith.constant 2147483647 : i32
    %xor3A_50 = vector.broadcast %xor3A : i32 to vector<256x2048xi32>
    %xor3A_51 = arith.xori %bitcast_convert_type3A, %xor3A_50 : vector<256x2048xi32>
    %select_n3A = arith.select %lt3A_49, %xor3A_51, %bitcast_convert_type3A : vector<256x2048xi1>, vector<256x2048xi32>
    %gt3A = arith.cmpi sgt, %iota3A_35, %add3A_34 : vector<256x2048xi32>
    %jit3A = arith.constant -2139095041 : i32
    %broadcast_in_dim3A_52 = vector.broadcast %jit3A : i32 to vector<256x2048xi32>
    %select_n3A_53 = arith.select %gt3A, %broadcast_in_dim3A_52, %select_n3A : vector<256x2048xi1>, vector<256x2048xi32>
    %sub3A_54 = arith.constant 15 : i32
    %sub3A_55 = vector.broadcast %sub3A_54 : i32 to vector<256x2048xi32>
    %sub3A_56 = arith.subi %add3A_34, %sub3A_55 : vector<256x2048xi32>
    %ge3A = arith.cmpi sge, %iota3A_35, %sub3A_56 : vector<256x2048xi32>
    %max3A_57 = arith.constant 15 : i32
    %max3A_58 = vector.broadcast %max3A_57 : i32 to vector<256x2048xi32>
    %max3A_59 = arith.maxsi %add3A_34, %max3A_58 : vector<256x2048xi32>
    %le3A = arith.cmpi sle, %iota3A_35, %max3A_59 : vector<256x2048xi32>
    %and3A = arith.andi %ge3A, %le3A : vector<256x2048xi1>
    %jit3A_60 = arith.constant -2147483648 : i32
    %broadcast_in_dim3A_61 = vector.broadcast %jit3A_60 : i32 to vector<256x2048xi32>
    %select_n3A_62 = arith.select %and3A, %broadcast_in_dim3A_61, %select_n3A_53 : vector<256x2048xi1>, vector<256x2048xi32>
    %reduce_max3A = arith.constant dense<-2147483648> : vector<256xi32>
    %reduce_max3A_63 = vector.multi_reduction <maxsi>, %select_n3A_62, %reduce_max3A [1] : vector<256x2048xi32> to vector<256xi32>
    %broadcast_in_dim3A_64 = vector.shape_cast %reduce_max3A_63 : vector<256xi32> to vector<256x1xi32>
    %eq3A = vector.broadcast %broadcast_in_dim3A_64 : vector<256x1xi32> to vector<256x2048xi32>
    %eq3A_65 = arith.cmpi eq, %select_n3A_62, %eq3A : vector<256x2048xi32>
    %jit3A_66 = arith.constant 2048 : i32
    %broadcast_in_dim3A_67 = vector.broadcast %jit3A_66 : i32 to vector<256x2048xi32>
    %select_n3A_68 = arith.select %eq3A_65, %iota3A_35, %broadcast_in_dim3A_67 : vector<256x2048xi1>, vector<256x2048xi32>
    %reduce_min3A = arith.constant dense<2147483647> : vector<256xi32>
    %reduce_min3A_69 = vector.multi_reduction <minsi>, %select_n3A_68, %reduce_min3A [1] : vector<256x2048xi32> to vector<256xi32>
    %broadcast_in_dim3A_70 = vector.shape_cast %reduce_min3A_69 : vector<256xi32> to vector<256x1xi32>
    %eq3A_71 = vector.broadcast %broadcast_in_dim3A_70 : vector<256x1xi32> to vector<256x2048xi32>
    %eq3A_72 = arith.cmpi eq, %iota3A_35, %eq3A_71 : vector<256x2048xi32>
    %jit3A_73 = arith.constant -2147483648 : i32
    %broadcast_in_dim3A_74 = vector.broadcast %jit3A_73 : i32 to vector<256x2048xi32>
    %select_n3A_75 = arith.select %eq3A_72, %broadcast_in_dim3A_74, %select_n3A_62 : vector<256x2048xi1>, vector<256x2048xi32>
    %reduce_max3A_76 = arith.constant dense<-2147483648> : vector<256xi32>
    %reduce_max3A_77 = vector.multi_reduction <maxsi>, %select_n3A_75, %reduce_max3A_76 [1] : vector<256x2048xi32> to vector<256xi32>
    %broadcast_in_dim3A_78 = vector.shape_cast %reduce_max3A_77 : vector<256xi32> to vector<256x1xi32>
    %eq3A_79 = vector.broadcast %broadcast_in_dim3A_78 : vector<256x1xi32> to vector<256x2048xi32>
    %eq3A_80 = arith.cmpi eq, %select_n3A_75, %eq3A_79 : vector<256x2048xi32>
    %jit3A_81 = arith.constant 2048 : i32
    %broadcast_in_dim3A_82 = vector.broadcast %jit3A_81 : i32 to vector<256x2048xi32>
    %select_n3A_83 = arith.select %eq3A_80, %iota3A_35, %broadcast_in_dim3A_82 : vector<256x2048xi1>, vector<256x2048xi32>
    %reduce_min3A_84 = arith.constant dense<2147483647> : vector<256xi32>
    %reduce_min3A_85 = vector.multi_reduction <minsi>, %select_n3A_83, %reduce_min3A_84 [1] : vector<256x2048xi32> to vector<256xi32>
    %broadcast_in_dim3A_86 = vector.shape_cast %reduce_min3A_85 : vector<256xi32> to vector<256x1xi32>
    %eq3A_87 = vector.broadcast %broadcast_in_dim3A_86 : vector<256x1xi32> to vector<256x2048xi32>
    %eq3A_88 = arith.cmpi eq, %iota3A_35, %eq3A_87 : vector<256x2048xi32>
    %jit3A_89 = arith.constant -2147483648 : i32
    %broadcast_in_dim3A_90 = vector.broadcast %jit3A_89 : i32 to vector<256x2048xi32>
    %select_n3A_91 = arith.select %eq3A_88, %broadcast_in_dim3A_90, %select_n3A_75 : vector<256x2048xi1>, vector<256x2048xi32>
    %reduce_max3A_92 = arith.constant dense<-2147483648> : vector<256xi32>
    %reduce_max3A_93 = vector.multi_reduction <maxsi>, %select_n3A_91, %reduce_max3A_92 [1] : vector<256x2048xi32> to vector<256xi32>
    %broadcast_in_dim3A_94 = vector.shape_cast %reduce_max3A_93 : vector<256xi32> to vector<256x1xi32>
    %eq3A_95 = vector.broadcast %broadcast_in_dim3A_94 : vector<256x1xi32> to vector<256x2048xi32>
    %eq3A_96 = arith.cmpi eq, %select_n3A_91, %eq3A_95 : vector<256x2048xi32>
    %jit3A_97 = arith.constant 2048 : i32
    %broadcast_in_dim3A_98 = vector.broadcast %jit3A_97 : i32 to vector<256x2048xi32>
    %select_n3A_99 = arith.select %eq3A_96, %iota3A_35, %broadcast_in_dim3A_98 : vector<256x2048xi1>, vector<256x2048xi32>
    %reduce_min3A_100 = arith.constant dense<2147483647> : vector<256xi32>
    %reduce_min3A_101 = vector.multi_reduction <minsi>, %select_n3A_99, %reduce_min3A_100 [1] : vector<256x2048xi32> to vector<256xi32>
    %broadcast_in_dim3A_102 = vector.shape_cast %reduce_min3A_101 : vector<256xi32> to vector<256x1xi32>
    %eq3A_103 = vector.broadcast %broadcast_in_dim3A_102 : vector<256x1xi32> to vector<256x2048xi32>
    %eq3A_104 = arith.cmpi eq, %iota3A_35, %eq3A_103 : vector<256x2048xi32>
    %jit3A_105 = arith.constant -2147483648 : i32
    %broadcast_in_dim3A_106 = vector.broadcast %jit3A_105 : i32 to vector<256x2048xi32>
    %select_n3A_107 = arith.select %eq3A_104, %broadcast_in_dim3A_106, %select_n3A_91 : vector<256x2048xi1>, vector<256x2048xi32>
    %reduce_max3A_108 = arith.constant dense<-2147483648> : vector<256xi32>
    %reduce_max3A_109 = vector.multi_reduction <maxsi>, %select_n3A_107, %reduce_max3A_108 [1] : vector<256x2048xi32> to vector<256xi32>
    %broadcast_in_dim3A_110 = vector.shape_cast %reduce_max3A_109 : vector<256xi32> to vector<256x1xi32>
    %eq3A_111 = vector.broadcast %broadcast_in_dim3A_110 : vector<256x1xi32> to vector<256x2048xi32>
    %eq3A_112 = arith.cmpi eq, %select_n3A_107, %eq3A_111 : vector<256x2048xi32>
    %jit3A_113 = arith.constant 2048 : i32
    %broadcast_in_dim3A_114 = vector.broadcast %jit3A_113 : i32 to vector<256x2048xi32>
    %select_n3A_115 = arith.select %eq3A_112, %iota3A_35, %broadcast_in_dim3A_114 : vector<256x2048xi1>, vector<256x2048xi32>
    %reduce_min3A_116 = arith.constant dense<2147483647> : vector<256xi32>
    %reduce_min3A_117 = vector.multi_reduction <minsi>, %select_n3A_115, %reduce_min3A_116 [1] : vector<256x2048xi32> to vector<256xi32>
    %broadcast_in_dim3A_118 = vector.shape_cast %reduce_min3A_117 : vector<256xi32> to vector<256x1xi32>
    %eq3A_119 = vector.broadcast %broadcast_in_dim3A_118 : vector<256x1xi32> to vector<256x2048xi32>
    %eq3A_120 = arith.cmpi eq, %iota3A_35, %eq3A_119 : vector<256x2048xi32>
    %jit3A_121 = arith.constant -2147483648 : i32
    %broadcast_in_dim3A_122 = vector.broadcast %jit3A_121 : i32 to vector<256x2048xi32>
    %select_n3A_123 = arith.select %eq3A_120, %broadcast_in_dim3A_122, %select_n3A_107 : vector<256x2048xi1>, vector<256x2048xi32>
    %reduce_max3A_124 = arith.constant dense<-2147483648> : vector<256xi32>
    %reduce_max3A_125 = vector.multi_reduction <maxsi>, %select_n3A_123, %reduce_max3A_124 [1] : vector<256x2048xi32> to vector<256xi32>
    %broadcast_in_dim3A_126 = vector.shape_cast %reduce_max3A_125 : vector<256xi32> to vector<256x1xi32>
    %eq3A_127 = vector.broadcast %broadcast_in_dim3A_126 : vector<256x1xi32> to vector<256x2048xi32>
    %eq3A_128 = arith.cmpi eq, %select_n3A_123, %eq3A_127 : vector<256x2048xi32>
    %jit3A_129 = arith.constant 2048 : i32
    %broadcast_in_dim3A_130 = vector.broadcast %jit3A_129 : i32 to vector<256x2048xi32>
    %select_n3A_131 = arith.select %eq3A_128, %iota3A_35, %broadcast_in_dim3A_130 : vector<256x2048xi1>, vector<256x2048xi32>
    %reduce_min3A_132 = arith.constant dense<2147483647> : vector<256xi32>
    %reduce_min3A_133 = vector.multi_reduction <minsi>, %select_n3A_131, %reduce_min3A_132 [1] : vector<256x2048xi32> to vector<256xi32>
    %broadcast_in_dim3A_134 = vector.shape_cast %reduce_min3A_133 : vector<256xi32> to vector<256x1xi32>
    %eq3A_135 = vector.broadcast %broadcast_in_dim3A_134 : vector<256x1xi32> to vector<256x2048xi32>
    %eq3A_136 = arith.cmpi eq, %iota3A_35, %eq3A_135 : vector<256x2048xi32>
    %jit3A_137 = arith.constant -2147483648 : i32
    %broadcast_in_dim3A_138 = vector.broadcast %jit3A_137 : i32 to vector<256x2048xi32>
    %select_n3A_139 = arith.select %eq3A_136, %broadcast_in_dim3A_138, %select_n3A_123 : vector<256x2048xi1>, vector<256x2048xi32>
    %reduce_max3A_140 = arith.constant dense<-2147483648> : vector<256xi32>
    %reduce_max3A_141 = vector.multi_reduction <maxsi>, %select_n3A_139, %reduce_max3A_140 [1] : vector<256x2048xi32> to vector<256xi32>
    %broadcast_in_dim3A_142 = vector.shape_cast %reduce_max3A_141 : vector<256xi32> to vector<256x1xi32>
    %eq3A_143 = vector.broadcast %broadcast_in_dim3A_142 : vector<256x1xi32> to vector<256x2048xi32>
    %eq3A_144 = arith.cmpi eq, %select_n3A_139, %eq3A_143 : vector<256x2048xi32>
    %jit3A_145 = arith.constant 2048 : i32
    %broadcast_in_dim3A_146 = vector.broadcast %jit3A_145 : i32 to vector<256x2048xi32>
    %select_n3A_147 = arith.select %eq3A_144, %iota3A_35, %broadcast_in_dim3A_146 : vector<256x2048xi1>, vector<256x2048xi32>
    %reduce_min3A_148 = arith.constant dense<2147483647> : vector<256xi32>
    %reduce_min3A_149 = vector.multi_reduction <minsi>, %select_n3A_147, %reduce_min3A_148 [1] : vector<256x2048xi32> to vector<256xi32>
    %broadcast_in_dim3A_150 = vector.shape_cast %reduce_min3A_149 : vector<256xi32> to vector<256x1xi32>
    %eq3A_151 = vector.broadcast %broadcast_in_dim3A_150 : vector<256x1xi32> to vector<256x2048xi32>
    %eq3A_152 = arith.cmpi eq, %iota3A_35, %eq3A_151 : vector<256x2048xi32>
    %jit3A_153 = arith.constant -2147483648 : i32
    %broadcast_in_dim3A_154 = vector.broadcast %jit3A_153 : i32 to vector<256x2048xi32>
    %select_n3A_155 = arith.select %eq3A_152, %broadcast_in_dim3A_154, %select_n3A_139 : vector<256x2048xi1>, vector<256x2048xi32>
    %reduce_max3A_156 = arith.constant dense<-2147483648> : vector<256xi32>
    %reduce_max3A_157 = vector.multi_reduction <maxsi>, %select_n3A_155, %reduce_max3A_156 [1] : vector<256x2048xi32> to vector<256xi32>
    %broadcast_in_dim3A_158 = vector.shape_cast %reduce_max3A_157 : vector<256xi32> to vector<256x1xi32>
    %eq3A_159 = vector.broadcast %broadcast_in_dim3A_158 : vector<256x1xi32> to vector<256x2048xi32>
    %eq3A_160 = arith.cmpi eq, %select_n3A_155, %eq3A_159 : vector<256x2048xi32>
    %jit3A_161 = arith.constant 2048 : i32
    %broadcast_in_dim3A_162 = vector.broadcast %jit3A_161 : i32 to vector<256x2048xi32>
    %select_n3A_163 = arith.select %eq3A_160, %iota3A_35, %broadcast_in_dim3A_162 : vector<256x2048xi1>, vector<256x2048xi32>
    %reduce_min3A_164 = arith.constant dense<2147483647> : vector<256xi32>
    %reduce_min3A_165 = vector.multi_reduction <minsi>, %select_n3A_163, %reduce_min3A_164 [1] : vector<256x2048xi32> to vector<256xi32>
    %broadcast_in_dim3A_166 = vector.shape_cast %reduce_min3A_165 : vector<256xi32> to vector<256x1xi32>
    %eq3A_167 = vector.broadcast %broadcast_in_dim3A_166 : vector<256x1xi32> to vector<256x2048xi32>
    %eq3A_168 = arith.cmpi eq, %iota3A_35, %eq3A_167 : vector<256x2048xi32>
    %jit3A_169 = arith.constant -2147483648 : i32
    %broadcast_in_dim3A_170 = vector.broadcast %jit3A_169 : i32 to vector<256x2048xi32>
    %select_n3A_171 = arith.select %eq3A_168, %broadcast_in_dim3A_170, %select_n3A_155 : vector<256x2048xi1>, vector<256x2048xi32>
    %reduce_max3A_172 = arith.constant dense<-2147483648> : vector<256xi32>
    %reduce_max3A_173 = vector.multi_reduction <maxsi>, %select_n3A_171, %reduce_max3A_172 [1] : vector<256x2048xi32> to vector<256xi32>
    %broadcast_in_dim3A_174 = vector.shape_cast %reduce_max3A_173 : vector<256xi32> to vector<256x1xi32>
    %eq3A_175 = vector.broadcast %broadcast_in_dim3A_174 : vector<256x1xi32> to vector<256x2048xi32>
    %eq3A_176 = arith.cmpi eq, %select_n3A_171, %eq3A_175 : vector<256x2048xi32>
    %jit3A_177 = arith.constant 2048 : i32
    %broadcast_in_dim3A_178 = vector.broadcast %jit3A_177 : i32 to vector<256x2048xi32>
    %select_n3A_179 = arith.select %eq3A_176, %iota3A_35, %broadcast_in_dim3A_178 : vector<256x2048xi1>, vector<256x2048xi32>
    %reduce_min3A_180 = arith.constant dense<2147483647> : vector<256xi32>
    %reduce_min3A_181 = vector.multi_reduction <minsi>, %select_n3A_179, %reduce_min3A_180 [1] : vector<256x2048xi32> to vector<256xi32>
    %broadcast_in_dim3A_182 = vector.shape_cast %reduce_min3A_181 : vector<256xi32> to vector<256x1xi32>
    %eq3A_183 = vector.broadcast %broadcast_in_dim3A_182 : vector<256x1xi32> to vector<256x2048xi32>
    %eq3A_184 = arith.cmpi eq, %iota3A_35, %eq3A_183 : vector<256x2048xi32>
    %jit3A_185 = arith.constant -2147483648 : i32
    %broadcast_in_dim3A_186 = vector.broadcast %jit3A_185 : i32 to vector<256x2048xi32>
    %select_n3A_187 = arith.select %eq3A_184, %broadcast_in_dim3A_186, %select_n3A_171 : vector<256x2048xi1>, vector<256x2048xi32>
    %reduce_max3A_188 = arith.constant dense<-2147483648> : vector<256xi32>
    %reduce_max3A_189 = vector.multi_reduction <maxsi>, %select_n3A_187, %reduce_max3A_188 [1] : vector<256x2048xi32> to vector<256xi32>
    %broadcast_in_dim3A_190 = vector.shape_cast %reduce_max3A_189 : vector<256xi32> to vector<256x1xi32>
    %eq3A_191 = vector.broadcast %broadcast_in_dim3A_190 : vector<256x1xi32> to vector<256x2048xi32>
    %eq3A_192 = arith.cmpi eq, %select_n3A_187, %eq3A_191 : vector<256x2048xi32>
    %jit3A_193 = arith.constant 2048 : i32
    %broadcast_in_dim3A_194 = vector.broadcast %jit3A_193 : i32 to vector<256x2048xi32>
    %select_n3A_195 = arith.select %eq3A_192, %iota3A_35, %broadcast_in_dim3A_194 : vector<256x2048xi1>, vector<256x2048xi32>
    %reduce_min3A_196 = arith.constant dense<2147483647> : vector<256xi32>
    %reduce_min3A_197 = vector.multi_reduction <minsi>, %select_n3A_195, %reduce_min3A_196 [1] : vector<256x2048xi32> to vector<256xi32>
    %broadcast_in_dim3A_198 = vector.shape_cast %reduce_min3A_197 : vector<256xi32> to vector<256x1xi32>
    %eq3A_199 = vector.broadcast %broadcast_in_dim3A_198 : vector<256x1xi32> to vector<256x2048xi32>
    %eq3A_200 = arith.cmpi eq, %iota3A_35, %eq3A_199 : vector<256x2048xi32>
    %jit3A_201 = arith.constant -2147483648 : i32
    %broadcast_in_dim3A_202 = vector.broadcast %jit3A_201 : i32 to vector<256x2048xi32>
    %select_n3A_203 = arith.select %eq3A_200, %broadcast_in_dim3A_202, %select_n3A_187 : vector<256x2048xi1>, vector<256x2048xi32>
    %reduce_max3A_204 = arith.constant dense<-2147483648> : vector<256xi32>
    %reduce_max3A_205 = vector.multi_reduction <maxsi>, %select_n3A_203, %reduce_max3A_204 [1] : vector<256x2048xi32> to vector<256xi32>
    %broadcast_in_dim3A_206 = vector.shape_cast %reduce_max3A_205 : vector<256xi32> to vector<256x1xi32>
    %eq3A_207 = vector.broadcast %broadcast_in_dim3A_206 : vector<256x1xi32> to vector<256x2048xi32>
    %eq3A_208 = arith.cmpi eq, %select_n3A_203, %eq3A_207 : vector<256x2048xi32>
    %jit3A_209 = arith.constant 2048 : i32
    %broadcast_in_dim3A_210 = vector.broadcast %jit3A_209 : i32 to vector<256x2048xi32>
    %select_n3A_211 = arith.select %eq3A_208, %iota3A_35, %broadcast_in_dim3A_210 : vector<256x2048xi1>, vector<256x2048xi32>
    %reduce_min3A_212 = arith.constant dense<2147483647> : vector<256xi32>
    %reduce_min3A_213 = vector.multi_reduction <minsi>, %select_n3A_211, %reduce_min3A_212 [1] : vector<256x2048xi32> to vector<256xi32>
    %broadcast_in_dim3A_214 = vector.shape_cast %reduce_min3A_213 : vector<256xi32> to vector<256x1xi32>
    %eq3A_215 = vector.broadcast %broadcast_in_dim3A_214 : vector<256x1xi32> to vector<256x2048xi32>
    %eq3A_216 = arith.cmpi eq, %iota3A_35, %eq3A_215 : vector<256x2048xi32>
    %jit3A_217 = arith.constant -2147483648 : i32
    %broadcast_in_dim3A_218 = vector.broadcast %jit3A_217 : i32 to vector<256x2048xi32>
    %select_n3A_219 = arith.select %eq3A_216, %broadcast_in_dim3A_218, %select_n3A_203 : vector<256x2048xi1>, vector<256x2048xi32>
    %reduce_max3A_220 = arith.constant dense<-2147483648> : vector<256xi32>
    %reduce_max3A_221 = vector.multi_reduction <maxsi>, %select_n3A_219, %reduce_max3A_220 [1] : vector<256x2048xi32> to vector<256xi32>
    %broadcast_in_dim3A_222 = vector.shape_cast %reduce_max3A_221 : vector<256xi32> to vector<256x1xi32>
    %eq3A_223 = vector.broadcast %broadcast_in_dim3A_222 : vector<256x1xi32> to vector<256x2048xi32>
    %eq3A_224 = arith.cmpi eq, %select_n3A_219, %eq3A_223 : vector<256x2048xi32>
    %jit3A_225 = arith.constant 2048 : i32
    %broadcast_in_dim3A_226 = vector.broadcast %jit3A_225 : i32 to vector<256x2048xi32>
    %select_n3A_227 = arith.select %eq3A_224, %iota3A_35, %broadcast_in_dim3A_226 : vector<256x2048xi1>, vector<256x2048xi32>
    %reduce_min3A_228 = arith.constant dense<2147483647> : vector<256xi32>
    %reduce_min3A_229 = vector.multi_reduction <minsi>, %select_n3A_227, %reduce_min3A_228 [1] : vector<256x2048xi32> to vector<256xi32>
    %broadcast_in_dim3A_230 = vector.shape_cast %reduce_min3A_229 : vector<256xi32> to vector<256x1xi32>
    %eq3A_231 = vector.broadcast %broadcast_in_dim3A_230 : vector<256x1xi32> to vector<256x2048xi32>
    %eq3A_232 = arith.cmpi eq, %iota3A_35, %eq3A_231 : vector<256x2048xi32>
    %jit3A_233 = arith.constant -2147483648 : i32
    %broadcast_in_dim3A_234 = vector.broadcast %jit3A_233 : i32 to vector<256x2048xi32>
    %select_n3A_235 = arith.select %eq3A_232, %broadcast_in_dim3A_234, %select_n3A_219 : vector<256x2048xi1>, vector<256x2048xi32>
    %reduce_max3A_236 = arith.constant dense<-2147483648> : vector<256xi32>
    %reduce_max3A_237 = vector.multi_reduction <maxsi>, %select_n3A_235, %reduce_max3A_236 [1] : vector<256x2048xi32> to vector<256xi32>
    %broadcast_in_dim3A_238 = vector.shape_cast %reduce_max3A_237 : vector<256xi32> to vector<256x1xi32>
    %eq3A_239 = vector.broadcast %broadcast_in_dim3A_238 : vector<256x1xi32> to vector<256x2048xi32>
    %eq3A_240 = arith.cmpi eq, %select_n3A_235, %eq3A_239 : vector<256x2048xi32>
    %jit3A_241 = arith.constant 2048 : i32
    %broadcast_in_dim3A_242 = vector.broadcast %jit3A_241 : i32 to vector<256x2048xi32>
    %select_n3A_243 = arith.select %eq3A_240, %iota3A_35, %broadcast_in_dim3A_242 : vector<256x2048xi1>, vector<256x2048xi32>
    %reduce_min3A_244 = arith.constant dense<2147483647> : vector<256xi32>
    %reduce_min3A_245 = vector.multi_reduction <minsi>, %select_n3A_243, %reduce_min3A_244 [1] : vector<256x2048xi32> to vector<256xi32>
    %broadcast_in_dim3A_246 = vector.shape_cast %reduce_min3A_245 : vector<256xi32> to vector<256x1xi32>
    %eq3A_247 = vector.broadcast %broadcast_in_dim3A_246 : vector<256x1xi32> to vector<256x2048xi32>
    %eq3A_248 = arith.cmpi eq, %iota3A_35, %eq3A_247 : vector<256x2048xi32>
    %jit3A_249 = arith.constant -2147483648 : i32
    %broadcast_in_dim3A_250 = vector.broadcast %jit3A_249 : i32 to vector<256x2048xi32>
    %select_n3A_251 = arith.select %eq3A_248, %broadcast_in_dim3A_250, %select_n3A_235 : vector<256x2048xi1>, vector<256x2048xi32>
    %reduce_max3A_252 = arith.constant dense<-2147483648> : vector<256xi32>
    %reduce_max3A_253 = vector.multi_reduction <maxsi>, %select_n3A_251, %reduce_max3A_252 [1] : vector<256x2048xi32> to vector<256xi32>
    %broadcast_in_dim3A_254 = vector.shape_cast %reduce_max3A_253 : vector<256xi32> to vector<256x1xi32>
    %eq3A_255 = vector.broadcast %broadcast_in_dim3A_254 : vector<256x1xi32> to vector<256x2048xi32>
    %eq3A_256 = arith.cmpi eq, %select_n3A_251, %eq3A_255 : vector<256x2048xi32>
    %jit3A_257 = arith.constant 2048 : i32
    %broadcast_in_dim3A_258 = vector.broadcast %jit3A_257 : i32 to vector<256x2048xi32>
    %select_n3A_259 = arith.select %eq3A_256, %iota3A_35, %broadcast_in_dim3A_258 : vector<256x2048xi1>, vector<256x2048xi32>
    %reduce_min3A_260 = arith.constant dense<2147483647> : vector<256xi32>
    %reduce_min3A_261 = vector.multi_reduction <minsi>, %select_n3A_259, %reduce_min3A_260 [1] : vector<256x2048xi32> to vector<256xi32>
    %broadcast_in_dim3A_262 = vector.shape_cast %reduce_min3A_261 : vector<256xi32> to vector<256x1xi32>
    %eq3A_263 = vector.broadcast %broadcast_in_dim3A_262 : vector<256x1xi32> to vector<256x2048xi32>
    %eq3A_264 = arith.cmpi eq, %iota3A_35, %eq3A_263 : vector<256x2048xi32>
    %jit3A_265 = arith.constant -2147483648 : i32
    %broadcast_in_dim3A_266 = vector.broadcast %jit3A_265 : i32 to vector<256x2048xi32>
    %select_n3A_267 = arith.select %eq3A_264, %broadcast_in_dim3A_266, %select_n3A_251 : vector<256x2048xi1>, vector<256x2048xi32>
    %reduce_max3A_268 = arith.constant dense<-2147483648> : vector<256xi32>
    %reduce_max3A_269 = vector.multi_reduction <maxsi>, %select_n3A_267, %reduce_max3A_268 [1] : vector<256x2048xi32> to vector<256xi32>
    %broadcast_in_dim3A_270 = vector.shape_cast %reduce_max3A_269 : vector<256xi32> to vector<256x1xi32>
    %eq3A_271 = vector.broadcast %broadcast_in_dim3A_270 : vector<256x1xi32> to vector<256x2048xi32>
    %eq3A_272 = arith.cmpi eq, %select_n3A_267, %eq3A_271 : vector<256x2048xi32>
    %jit3A_273 = arith.constant 2048 : i32
    %broadcast_in_dim3A_274 = vector.broadcast %jit3A_273 : i32 to vector<256x2048xi32>
    %select_n3A_275 = arith.select %eq3A_272, %iota3A_35, %broadcast_in_dim3A_274 : vector<256x2048xi1>, vector<256x2048xi32>
    %reduce_min3A_276 = arith.constant dense<2147483647> : vector<256xi32>
    %reduce_min3A_277 = vector.multi_reduction <minsi>, %select_n3A_275, %reduce_min3A_276 [1] : vector<256x2048xi32> to vector<256xi32>
    %broadcast_in_dim3A_278 = vector.shape_cast %reduce_min3A_277 : vector<256xi32> to vector<256x1xi32>
    %eq3A_279 = vector.broadcast %broadcast_in_dim3A_278 : vector<256x1xi32> to vector<256x2048xi32>
    %eq3A_280 = arith.cmpi eq, %iota3A_35, %eq3A_279 : vector<256x2048xi32>
    %jit3A_281 = arith.constant -2147483648 : i32
    %broadcast_in_dim3A_282 = vector.broadcast %jit3A_281 : i32 to vector<256x2048xi32>
    %select_n3A_283 = arith.select %eq3A_280, %broadcast_in_dim3A_282, %select_n3A_267 : vector<256x2048xi1>, vector<256x2048xi32>
    %reduce_max3A_284 = arith.constant dense<-2147483648> : vector<256xi32>
    %reduce_max3A_285 = vector.multi_reduction <maxsi>, %select_n3A_283, %reduce_max3A_284 [1] : vector<256x2048xi32> to vector<256xi32>
    %broadcast_in_dim3A_286 = vector.shape_cast %reduce_max3A_285 : vector<256xi32> to vector<256x1xi32>
    %eq3A_287 = vector.broadcast %broadcast_in_dim3A_286 : vector<256x1xi32> to vector<256x2048xi32>
    %eq3A_288 = arith.cmpi eq, %select_n3A_283, %eq3A_287 : vector<256x2048xi32>
    %jit3A_289 = arith.constant 2048 : i32
    %broadcast_in_dim3A_290 = vector.broadcast %jit3A_289 : i32 to vector<256x2048xi32>
    %select_n3A_291 = arith.select %eq3A_288, %iota3A_35, %broadcast_in_dim3A_290 : vector<256x2048xi1>, vector<256x2048xi32>
    %reduce_min3A_292 = arith.constant dense<2147483647> : vector<256xi32>
    %reduce_min3A_293 = vector.multi_reduction <minsi>, %select_n3A_291, %reduce_min3A_292 [1] : vector<256x2048xi32> to vector<256xi32>
    %broadcast_in_dim3A_294 = vector.shape_cast %reduce_min3A_293 : vector<256xi32> to vector<256x1xi32>
    %eq3A_295 = vector.broadcast %broadcast_in_dim3A_294 : vector<256x1xi32> to vector<256x2048xi32>
    %eq3A_296 = arith.cmpi eq, %iota3A_35, %eq3A_295 : vector<256x2048xi32>
    %jit3A_297 = arith.constant -2147483648 : i32
    %broadcast_in_dim3A_298 = vector.broadcast %jit3A_297 : i32 to vector<256x2048xi32>
    %select_n3A_299 = arith.select %eq3A_296, %broadcast_in_dim3A_298, %select_n3A_283 : vector<256x2048xi1>, vector<256x2048xi32>
    %reduce_max3A_300 = arith.constant dense<-2147483648> : vector<256xi32>
    %reduce_max3A_301 = vector.multi_reduction <maxsi>, %select_n3A_299, %reduce_max3A_300 [1] : vector<256x2048xi32> to vector<256xi32>
    %broadcast_in_dim3A_302 = vector.shape_cast %reduce_max3A_301 : vector<256xi32> to vector<256x1xi32>
    %eq3A_303 = vector.broadcast %broadcast_in_dim3A_302 : vector<256x1xi32> to vector<256x2048xi32>
    %eq3A_304 = arith.cmpi eq, %select_n3A_299, %eq3A_303 : vector<256x2048xi32>
    %jit3A_305 = arith.constant 2048 : i32
    %broadcast_in_dim3A_306 = vector.broadcast %jit3A_305 : i32 to vector<256x2048xi32>
    %select_n3A_307 = arith.select %eq3A_304, %iota3A_35, %broadcast_in_dim3A_306 : vector<256x2048xi1>, vector<256x2048xi32>
    %reduce_min3A_308 = arith.constant dense<2147483647> : vector<256xi32>
    %reduce_min3A_309 = vector.multi_reduction <minsi>, %select_n3A_307, %reduce_min3A_308 [1] : vector<256x2048xi32> to vector<256xi32>
    %broadcast_in_dim3A_310 = vector.shape_cast %reduce_min3A_309 : vector<256xi32> to vector<256x1xi32>
    %concatenate3A = tpu.concatenate %add3A_47, %broadcast_in_dim3A_70, %broadcast_in_dim3A_86, %broadcast_in_dim3A_102, %broadcast_in_dim3A_118, %broadcast_in_dim3A_134, %broadcast_in_dim3A_150, %broadcast_in_dim3A_166, %broadcast_in_dim3A_182, %broadcast_in_dim3A_198, %broadcast_in_dim3A_214, %broadcast_in_dim3A_230, %broadcast_in_dim3A_246, %broadcast_in_dim3A_262, %broadcast_in_dim3A_278, %broadcast_in_dim3A_294, %broadcast_in_dim3A_310 in 1 : vector<256x16xi32>, vector<256x1xi32>, vector<256x1xi32>, vector<256x1xi32>, vector<256x1xi32>, vector<256x1xi32>, vector<256x1xi32>, vector<256x1xi32>, vector<256x1xi32>, vector<256x1xi32>, vector<256x1xi32>, vector<256x1xi32>, vector<256x1xi32>, vector<256x1xi32>, vector<256x1xi32>, vector<256x1xi32>, vector<256x1xi32> -> vector<256x32xi32>
    %swap3A = arith.constant 0 : index
    %swap3A_311 = arith.constant 0 : index
    %swap3A_312 = vector.load %arg4[%swap3A, %swap3A_311] : memref<256x32xi32, #tpu.memory_space<vmem>>, vector<256x32xi32>
    tpu.vector_store %arg4[%swap3A, %swap3A_311], %concatenate3A {strides = array<i32>} : memref<256x32xi32, #tpu.memory_space<vmem>>, vector<256x32xi32>,
    return
  }
  func.func @transform_0(%arg0: i32) -> (i32, i32) {
    %c0_i32 = arith.constant 0 : i32
    %c0_i32_0 = arith.constant 0 : i32
    return %arg0, %c0_i32 : i32, i32
  }
  func.func @transform_1(%arg0: i32) -> (i32, i32) {
    %c0_i32 = arith.constant 0 : i32
    %c0_i32_0 = arith.constant 0 : i32
    %c0_i32_1 = arith.constant 0 : i32
    return %c0_i32, %c0_i32_0 : i32, i32
  }
  func.func @transform_2(%arg0: i32) -> (i32, i32) {
    %c0_i32 = arith.constant 0 : i32
    %c0_i32_0 = arith.constant 0 : i32
    %c0_i32_1 = arith.constant 0 : i32
    return %c0_i32, %c0_i32_0 : i32, i32
  }
  func.func @transform_3(%arg0: i32) -> (i32, i32) {
    %c0_i32 = arith.constant 0 : i32
    %c0_i32_0 = arith.constant 0 : i32
    return %arg0, %c0_i32 : i32, i32
  }
}

module attributes {stable_mosaic.version = 14 : i64} {
  func.func @_attn_body(%arg0: i32, %arg1: memref<64x32x256xf32, #tpu.memory_space<vmem>>, %arg2: memref<64x1536xf32, #tpu.memory_space<vmem>>, %arg3: memref<64x256xf32, #tpu.memory_space<vmem>>, %arg4: memref<32x16xf32, #tpu.memory_space<vmem>>, %arg5: memref<32x16xf32, #tpu.memory_space<vmem>>, %arg6: memref<192x512xf32, #tpu.memory_space<vmem>>, %arg7: memref<512x768xf32, #tpu.memory_space<vmem>>, %arg8: memref<64x768xf32, #tpu.memory_space<vmem>>) attributes {dimension_semantics = [#tpu.dimension_semantics<arbitrary>], iteration_bounds = array<i64: 32>, scalar_prefetch = 0 : i64, scratch_operands = 0 : i64, tpu.core_type = #tpu.core_type<tc>, window_params = [{transform_indices = @transform_0, window_bounds = array<i64: 64, 32, 256>}, {transform_indices = @transform_1, window_bounds = array<i64: 64, 1536>}, {transform_indices = @transform_2, window_bounds = array<i64: 64, 256>}, {pipeline_mode = #tpu.pipeline_mode<synchronous>, transform_indices = @transform_3, window_bounds = array<i64: 32, 16>}, {pipeline_mode = #tpu.pipeline_mode<synchronous>, transform_indices = @transform_4, window_bounds = array<i64: 32, 16>}, {pipeline_mode = #tpu.pipeline_mode<synchronous>, transform_indices = @transform_5, window_bounds = array<i64: 192, 512>}, {pipeline_mode = #tpu.pipeline_mode<synchronous>, transform_indices = @transform_6, window_bounds = array<i64: 512, 768>}, {transform_indices = @transform_7, window_bounds = array<i64: 64, 768>}]} {
    %get3A = arith.constant 0 : index
    %get3A_0 = arith.constant 0 : index
    %get3A_1 = arith.constant 0 : index
    %get3A_2 = vector.load %arg1[%get3A, %get3A_0, %get3A_1] : memref<64x32x256xf32, #tpu.memory_space<vmem>>, vector<64x32x256xf32>
    %slice3A = vector.extract_strided_slice %get3A_2 {offsets = [0, 0, 0], sizes = [64, 32, 192], strides = [1, 1, 1]} : vector<64x32x256xf32> to vector<64x32x192xf32>
    %slice3A_3 = vector.extract_strided_slice %get3A_2 {offsets = [0, 0, 192], sizes = [64, 32, 16], strides = [1, 1, 1]} : vector<64x32x256xf32> to vector<64x32x16xf32>
    %slice3A_4 = vector.extract_strided_slice %get3A_2 {offsets = [0, 0, 208], sizes = [64, 32, 16], strides = [1, 1, 1]} : vector<64x32x256xf32> to vector<64x32x16xf32>
    %get3A_5 = arith.constant 0 : index
    %get3A_6 = arith.constant 0 : index
    %get3A_7 = vector.load %arg4[%get3A_5, %get3A_6] : memref<32x16xf32, #tpu.memory_space<vmem>>, vector<32x16xf32>
    %broadcast_in_dim3A = vector.shape_cast %get3A_7 : vector<32x16xf32> to vector<1x32x16xf32>
    %get3A_8 = arith.constant 0 : index
    %get3A_9 = arith.constant 0 : index
    %get3A_10 = vector.load %arg5[%get3A_8, %get3A_9] : memref<32x16xf32, #tpu.memory_space<vmem>>, vector<32x16xf32>
    %broadcast_in_dim3A_11 = vector.shape_cast %get3A_10 : vector<32x16xf32> to vector<1x32x16xf32>
    %mul3A = vector.broadcast %broadcast_in_dim3A : vector<1x32x16xf32> to vector<64x32x16xf32>
    %mul3A_12 = arith.mulf %slice3A_3, %mul3A : vector<64x32x16xf32>
    %mul3A_13 = vector.broadcast %broadcast_in_dim3A_11 : vector<1x32x16xf32> to vector<64x32x16xf32>
    %mul3A_14 = arith.mulf %slice3A_4, %mul3A_13 : vector<64x32x16xf32>
    %sub3A = arith.subf %mul3A_12, %mul3A_14 : vector<64x32x16xf32>
    %mul3A_15 = vector.broadcast %broadcast_in_dim3A_11 : vector<1x32x16xf32> to vector<64x32x16xf32>
    %mul3A_16 = arith.mulf %slice3A_3, %mul3A_15 : vector<64x32x16xf32>
    %mul3A_17 = vector.broadcast %broadcast_in_dim3A : vector<1x32x16xf32> to vector<64x32x16xf32>
    %mul3A_18 = arith.mulf %slice3A_4, %mul3A_17 : vector<64x32x16xf32>
    %add3A = arith.addf %mul3A_16, %mul3A_18 : vector<64x32x16xf32>
    %get3A_19 = arith.constant 0 : index
    %get3A_20 = arith.constant 0 : index
    %get3A_21 = vector.load %arg2[%get3A_19, %get3A_20] : memref<64x1536xf32, #tpu.memory_space<vmem>>, vector<64x1536xf32>
    %get3A_22 = arith.constant 0 : index
    %get3A_23 = arith.constant 0 : index
    %get3A_24 = vector.load %arg3[%get3A_22, %get3A_23] : memref<64x256xf32, #tpu.memory_space<vmem>>, vector<64x256xf32>
    %get3A_25 = arith.constant 0 : index
    %get3A_26 = arith.constant 0 : index
    %get3A_27 = vector.load %arg6[%get3A_25, %get3A_26] : memref<192x512xf32, #tpu.memory_space<vmem>>, vector<192x512xf32>
    %slice3A_28 = vector.extract_strided_slice %get3A_21 {offsets = [0, 0], sizes = [64, 192], strides = [1, 1]} : vector<64x1536xf32> to vector<64x192xf32>
    %slice3A_29 = vector.extract_strided_slice %get3A_24 {offsets = [0, 0], sizes = [64, 16], strides = [1, 1]} : vector<64x256xf32> to vector<64x16xf32>
    %slice3A_30 = vector.extract_strided_slice %get3A_24 {offsets = [0, 16], sizes = [64, 16], strides = [1, 1]} : vector<64x256xf32> to vector<64x16xf32>
    %broadcast_in_dim3A_31 = vector.shape_cast %slice3A_28 : vector<64x192xf32> to vector<64x1x192xf32>
    %mul3A_32 = vector.broadcast %broadcast_in_dim3A_31 : vector<64x1x192xf32> to vector<64x32x192xf32>
    %mul3A_33 = arith.mulf %mul3A_32, %slice3A : vector<64x32x192xf32>
    %reduce_sum3A = arith.constant dense<0.000000e+00> : vector<64x32xf32>
    %reduce_sum3A_34 = vector.multi_reduction <add>, %mul3A_33, %reduce_sum3A [2] : vector<64x32x192xf32> to vector<64x32xf32>
    %broadcast_in_dim3A_35 = vector.shape_cast %slice3A_29 : vector<64x16xf32> to vector<64x1x16xf32>
    %mul3A_36 = vector.broadcast %broadcast_in_dim3A_35 : vector<64x1x16xf32> to vector<64x32x16xf32>
    %mul3A_37 = arith.mulf %mul3A_36, %sub3A : vector<64x32x16xf32>
    %reduce_sum3A_38 = arith.constant dense<0.000000e+00> : vector<64x32xf32>
    %reduce_sum3A_39 = vector.multi_reduction <add>, %mul3A_37, %reduce_sum3A_38 [2] : vector<64x32x16xf32> to vector<64x32xf32>
    %add3A_40 = arith.addf %reduce_sum3A_34, %reduce_sum3A_39 : vector<64x32xf32>
    %broadcast_in_dim3A_41 = vector.shape_cast %slice3A_30 : vector<64x16xf32> to vector<64x1x16xf32>
    %mul3A_42 = vector.broadcast %broadcast_in_dim3A_41 : vector<64x1x16xf32> to vector<64x32x16xf32>
    %mul3A_43 = arith.mulf %mul3A_42, %add3A : vector<64x32x16xf32>
    %reduce_sum3A_44 = arith.constant dense<0.000000e+00> : vector<64x32xf32>
    %reduce_sum3A_45 = vector.multi_reduction <add>, %mul3A_43, %reduce_sum3A_44 [2] : vector<64x32x16xf32> to vector<64x32xf32>
    %add3A_46 = arith.addf %add3A_40, %reduce_sum3A_45 : vector<64x32xf32>
    %mul3A_47 = arith.constant 0.102062076 : f32
    %mul3A_48 = vector.broadcast %mul3A_47 : f32 to vector<64x32xf32>
    %mul3A_49 = arith.mulf %add3A_46, %mul3A_48 : vector<64x32xf32>
    %reduce_max3A = arith.constant dense<0xFF800000> : vector<64xf32>
    %reduce_max3A_50 = vector.multi_reduction <maximumf>, %mul3A_49, %reduce_max3A [1] : vector<64x32xf32> to vector<64xf32>
    %broadcast_in_dim3A_51 = vector.shape_cast %reduce_max3A_50 : vector<64xf32> to vector<64x1xf32>
    %sub3A_52 = vector.broadcast %broadcast_in_dim3A_51 : vector<64x1xf32> to vector<64x32xf32>
    %sub3A_53 = arith.subf %mul3A_49, %sub3A_52 : vector<64x32xf32>
    %exp3A = math.exp %sub3A_53 : vector<64x32xf32>
    %reduce_sum3A_54 = arith.constant dense<0.000000e+00> : vector<64xf32>
    %reduce_sum3A_55 = vector.multi_reduction <add>, %exp3A, %reduce_sum3A_54 [1] : vector<64x32xf32> to vector<64xf32>
    %broadcast_in_dim3A_56 = vector.shape_cast %reduce_sum3A_55 : vector<64xf32> to vector<64x1xf32>
    %div3A = vector.broadcast %broadcast_in_dim3A_56 : vector<64x1xf32> to vector<64x32xf32>
    %div3A_57 = arith.divf %exp3A, %div3A : vector<64x32xf32>
    %broadcast_in_dim3A_58 = vector.shape_cast %div3A_57 : vector<64x32xf32> to vector<64x32x1xf32>
    %mul3A_59 = vector.broadcast %broadcast_in_dim3A_58 : vector<64x32x1xf32> to vector<64x32x192xf32>
    %mul3A_60 = arith.mulf %mul3A_59, %slice3A : vector<64x32x192xf32>
    %reduce_sum3A_61 = arith.constant dense<0.000000e+00> : vector<64x192xf32>
    %reduce_sum3A_62 = vector.multi_reduction <add>, %mul3A_60, %reduce_sum3A_61 [1] : vector<64x32x192xf32> to vector<64x192xf32>
    %slice3A_63 = vector.extract_strided_slice %get3A_27 {offsets = [0, 0], sizes = [192, 64], strides = [1, 1]} : vector<192x512xf32> to vector<192x64xf32>
    %dot_general3A = arith.constant dense<0.000000e+00> : vector<64x64xf32>
    %dot_general3A_64 = tpu.matmul %reduce_sum3A_62, %slice3A_63, %dot_general3A {dimension_numbers = #tpu.dot_dimension_numbers<[1], [0], [0], [1], [0, 0, 1, 1], [], []>, transpose_lhs_hint = false} : vector<64x192xf32>, vector<192x64xf32>, vector<64x64xf32> -> vector<64x64xf32>
    %slice3A_65 = vector.extract_strided_slice %get3A_21 {offsets = [0, 192], sizes = [64, 192], strides = [1, 1]} : vector<64x1536xf32> to vector<64x192xf32>
    %slice3A_66 = vector.extract_strided_slice %get3A_24 {offsets = [0, 32], sizes = [64, 16], strides = [1, 1]} : vector<64x256xf32> to vector<64x16xf32>
    %slice3A_67 = vector.extract_strided_slice %get3A_24 {offsets = [0, 48], sizes = [64, 16], strides = [1, 1]} : vector<64x256xf32> to vector<64x16xf32>
    %broadcast_in_dim3A_68 = vector.shape_cast %slice3A_65 : vector<64x192xf32> to vector<64x1x192xf32>
    %mul3A_69 = vector.broadcast %broadcast_in_dim3A_68 : vector<64x1x192xf32> to vector<64x32x192xf32>
    %mul3A_70 = arith.mulf %mul3A_69, %slice3A : vector<64x32x192xf32>
    %reduce_sum3A_71 = arith.constant dense<0.000000e+00> : vector<64x32xf32>
    %reduce_sum3A_72 = vector.multi_reduction <add>, %mul3A_70, %reduce_sum3A_71 [2] : vector<64x32x192xf32> to vector<64x32xf32>
    %broadcast_in_dim3A_73 = vector.shape_cast %slice3A_66 : vector<64x16xf32> to vector<64x1x16xf32>
    %mul3A_74 = vector.broadcast %broadcast_in_dim3A_73 : vector<64x1x16xf32> to vector<64x32x16xf32>
    %mul3A_75 = arith.mulf %mul3A_74, %sub3A : vector<64x32x16xf32>
    %reduce_sum3A_76 = arith.constant dense<0.000000e+00> : vector<64x32xf32>
    %reduce_sum3A_77 = vector.multi_reduction <add>, %mul3A_75, %reduce_sum3A_76 [2] : vector<64x32x16xf32> to vector<64x32xf32>
    %add3A_78 = arith.addf %reduce_sum3A_72, %reduce_sum3A_77 : vector<64x32xf32>
    %broadcast_in_dim3A_79 = vector.shape_cast %slice3A_67 : vector<64x16xf32> to vector<64x1x16xf32>
    %mul3A_80 = vector.broadcast %broadcast_in_dim3A_79 : vector<64x1x16xf32> to vector<64x32x16xf32>
    %mul3A_81 = arith.mulf %mul3A_80, %add3A : vector<64x32x16xf32>
    %reduce_sum3A_82 = arith.constant dense<0.000000e+00> : vector<64x32xf32>
    %reduce_sum3A_83 = vector.multi_reduction <add>, %mul3A_81, %reduce_sum3A_82 [2] : vector<64x32x16xf32> to vector<64x32xf32>
    %add3A_84 = arith.addf %add3A_78, %reduce_sum3A_83 : vector<64x32xf32>
    %mul3A_85 = arith.constant 0.102062076 : f32
    %mul3A_86 = vector.broadcast %mul3A_85 : f32 to vector<64x32xf32>
    %mul3A_87 = arith.mulf %add3A_84, %mul3A_86 : vector<64x32xf32>
    %reduce_max3A_88 = arith.constant dense<0xFF800000> : vector<64xf32>
    %reduce_max3A_89 = vector.multi_reduction <maximumf>, %mul3A_87, %reduce_max3A_88 [1] : vector<64x32xf32> to vector<64xf32>
    %broadcast_in_dim3A_90 = vector.shape_cast %reduce_max3A_89 : vector<64xf32> to vector<64x1xf32>
    %sub3A_91 = vector.broadcast %broadcast_in_dim3A_90 : vector<64x1xf32> to vector<64x32xf32>
    %sub3A_92 = arith.subf %mul3A_87, %sub3A_91 : vector<64x32xf32>
    %exp3A_93 = math.exp %sub3A_92 : vector<64x32xf32>
    %reduce_sum3A_94 = arith.constant dense<0.000000e+00> : vector<64xf32>
    %reduce_sum3A_95 = vector.multi_reduction <add>, %exp3A_93, %reduce_sum3A_94 [1] : vector<64x32xf32> to vector<64xf32>
    %broadcast_in_dim3A_96 = vector.shape_cast %reduce_sum3A_95 : vector<64xf32> to vector<64x1xf32>
    %div3A_97 = vector.broadcast %broadcast_in_dim3A_96 : vector<64x1xf32> to vector<64x32xf32>
    %div3A_98 = arith.divf %exp3A_93, %div3A_97 : vector<64x32xf32>
    %broadcast_in_dim3A_99 = vector.shape_cast %div3A_98 : vector<64x32xf32> to vector<64x32x1xf32>
    %mul3A_100 = vector.broadcast %broadcast_in_dim3A_99 : vector<64x32x1xf32> to vector<64x32x192xf32>
    %mul3A_101 = arith.mulf %mul3A_100, %slice3A : vector<64x32x192xf32>
    %reduce_sum3A_102 = arith.constant dense<0.000000e+00> : vector<64x192xf32>
    %reduce_sum3A_103 = vector.multi_reduction <add>, %mul3A_101, %reduce_sum3A_102 [1] : vector<64x32x192xf32> to vector<64x192xf32>
    %slice3A_104 = vector.extract_strided_slice %get3A_27 {offsets = [0, 64], sizes = [192, 64], strides = [1, 1]} : vector<192x512xf32> to vector<192x64xf32>
    %dot_general3A_105 = arith.constant dense<0.000000e+00> : vector<64x64xf32>
    %dot_general3A_106 = tpu.matmul %reduce_sum3A_103, %slice3A_104, %dot_general3A_105 {dimension_numbers = #tpu.dot_dimension_numbers<[1], [0], [0], [1], [0, 0, 1, 1], [], []>, transpose_lhs_hint = false} : vector<64x192xf32>, vector<192x64xf32>, vector<64x64xf32> -> vector<64x64xf32>
    %slice3A_107 = vector.extract_strided_slice %get3A_21 {offsets = [0, 384], sizes = [64, 192], strides = [1, 1]} : vector<64x1536xf32> to vector<64x192xf32>
    %slice3A_108 = vector.extract_strided_slice %get3A_24 {offsets = [0, 64], sizes = [64, 16], strides = [1, 1]} : vector<64x256xf32> to vector<64x16xf32>
    %slice3A_109 = vector.extract_strided_slice %get3A_24 {offsets = [0, 80], sizes = [64, 16], strides = [1, 1]} : vector<64x256xf32> to vector<64x16xf32>
    %broadcast_in_dim3A_110 = vector.shape_cast %slice3A_107 : vector<64x192xf32> to vector<64x1x192xf32>
    %mul3A_111 = vector.broadcast %broadcast_in_dim3A_110 : vector<64x1x192xf32> to vector<64x32x192xf32>
    %mul3A_112 = arith.mulf %mul3A_111, %slice3A : vector<64x32x192xf32>
    %reduce_sum3A_113 = arith.constant dense<0.000000e+00> : vector<64x32xf32>
    %reduce_sum3A_114 = vector.multi_reduction <add>, %mul3A_112, %reduce_sum3A_113 [2] : vector<64x32x192xf32> to vector<64x32xf32>
    %broadcast_in_dim3A_115 = vector.shape_cast %slice3A_108 : vector<64x16xf32> to vector<64x1x16xf32>
    %mul3A_116 = vector.broadcast %broadcast_in_dim3A_115 : vector<64x1x16xf32> to vector<64x32x16xf32>
    %mul3A_117 = arith.mulf %mul3A_116, %sub3A : vector<64x32x16xf32>
    %reduce_sum3A_118 = arith.constant dense<0.000000e+00> : vector<64x32xf32>
    %reduce_sum3A_119 = vector.multi_reduction <add>, %mul3A_117, %reduce_sum3A_118 [2] : vector<64x32x16xf32> to vector<64x32xf32>
    %add3A_120 = arith.addf %reduce_sum3A_114, %reduce_sum3A_119 : vector<64x32xf32>
    %broadcast_in_dim3A_121 = vector.shape_cast %slice3A_109 : vector<64x16xf32> to vector<64x1x16xf32>
    %mul3A_122 = vector.broadcast %broadcast_in_dim3A_121 : vector<64x1x16xf32> to vector<64x32x16xf32>
    %mul3A_123 = arith.mulf %mul3A_122, %add3A : vector<64x32x16xf32>
    %reduce_sum3A_124 = arith.constant dense<0.000000e+00> : vector<64x32xf32>
    %reduce_sum3A_125 = vector.multi_reduction <add>, %mul3A_123, %reduce_sum3A_124 [2] : vector<64x32x16xf32> to vector<64x32xf32>
    %add3A_126 = arith.addf %add3A_120, %reduce_sum3A_125 : vector<64x32xf32>
    %mul3A_127 = arith.constant 0.102062076 : f32
    %mul3A_128 = vector.broadcast %mul3A_127 : f32 to vector<64x32xf32>
    %mul3A_129 = arith.mulf %add3A_126, %mul3A_128 : vector<64x32xf32>
    %reduce_max3A_130 = arith.constant dense<0xFF800000> : vector<64xf32>
    %reduce_max3A_131 = vector.multi_reduction <maximumf>, %mul3A_129, %reduce_max3A_130 [1] : vector<64x32xf32> to vector<64xf32>
    %broadcast_in_dim3A_132 = vector.shape_cast %reduce_max3A_131 : vector<64xf32> to vector<64x1xf32>
    %sub3A_133 = vector.broadcast %broadcast_in_dim3A_132 : vector<64x1xf32> to vector<64x32xf32>
    %sub3A_134 = arith.subf %mul3A_129, %sub3A_133 : vector<64x32xf32>
    %exp3A_135 = math.exp %sub3A_134 : vector<64x32xf32>
    %reduce_sum3A_136 = arith.constant dense<0.000000e+00> : vector<64xf32>
    %reduce_sum3A_137 = vector.multi_reduction <add>, %exp3A_135, %reduce_sum3A_136 [1] : vector<64x32xf32> to vector<64xf32>
    %broadcast_in_dim3A_138 = vector.shape_cast %reduce_sum3A_137 : vector<64xf32> to vector<64x1xf32>
    %div3A_139 = vector.broadcast %broadcast_in_dim3A_138 : vector<64x1xf32> to vector<64x32xf32>
    %div3A_140 = arith.divf %exp3A_135, %div3A_139 : vector<64x32xf32>
    %broadcast_in_dim3A_141 = vector.shape_cast %div3A_140 : vector<64x32xf32> to vector<64x32x1xf32>
    %mul3A_142 = vector.broadcast %broadcast_in_dim3A_141 : vector<64x32x1xf32> to vector<64x32x192xf32>
    %mul3A_143 = arith.mulf %mul3A_142, %slice3A : vector<64x32x192xf32>
    %reduce_sum3A_144 = arith.constant dense<0.000000e+00> : vector<64x192xf32>
    %reduce_sum3A_145 = vector.multi_reduction <add>, %mul3A_143, %reduce_sum3A_144 [1] : vector<64x32x192xf32> to vector<64x192xf32>
    %slice3A_146 = vector.extract_strided_slice %get3A_27 {offsets = [0, 128], sizes = [192, 64], strides = [1, 1]} : vector<192x512xf32> to vector<192x64xf32>
    %dot_general3A_147 = arith.constant dense<0.000000e+00> : vector<64x64xf32>
    %dot_general3A_148 = tpu.matmul %reduce_sum3A_145, %slice3A_146, %dot_general3A_147 {dimension_numbers = #tpu.dot_dimension_numbers<[1], [0], [0], [1], [0, 0, 1, 1], [], []>, transpose_lhs_hint = false} : vector<64x192xf32>, vector<192x64xf32>, vector<64x64xf32> -> vector<64x64xf32>
    %slice3A_149 = vector.extract_strided_slice %get3A_21 {offsets = [0, 576], sizes = [64, 192], strides = [1, 1]} : vector<64x1536xf32> to vector<64x192xf32>
    %slice3A_150 = vector.extract_strided_slice %get3A_24 {offsets = [0, 96], sizes = [64, 16], strides = [1, 1]} : vector<64x256xf32> to vector<64x16xf32>
    %slice3A_151 = vector.extract_strided_slice %get3A_24 {offsets = [0, 112], sizes = [64, 16], strides = [1, 1]} : vector<64x256xf32> to vector<64x16xf32>
    %broadcast_in_dim3A_152 = vector.shape_cast %slice3A_149 : vector<64x192xf32> to vector<64x1x192xf32>
    %mul3A_153 = vector.broadcast %broadcast_in_dim3A_152 : vector<64x1x192xf32> to vector<64x32x192xf32>
    %mul3A_154 = arith.mulf %mul3A_153, %slice3A : vector<64x32x192xf32>
    %reduce_sum3A_155 = arith.constant dense<0.000000e+00> : vector<64x32xf32>
    %reduce_sum3A_156 = vector.multi_reduction <add>, %mul3A_154, %reduce_sum3A_155 [2] : vector<64x32x192xf32> to vector<64x32xf32>
    %broadcast_in_dim3A_157 = vector.shape_cast %slice3A_150 : vector<64x16xf32> to vector<64x1x16xf32>
    %mul3A_158 = vector.broadcast %broadcast_in_dim3A_157 : vector<64x1x16xf32> to vector<64x32x16xf32>
    %mul3A_159 = arith.mulf %mul3A_158, %sub3A : vector<64x32x16xf32>
    %reduce_sum3A_160 = arith.constant dense<0.000000e+00> : vector<64x32xf32>
    %reduce_sum3A_161 = vector.multi_reduction <add>, %mul3A_159, %reduce_sum3A_160 [2] : vector<64x32x16xf32> to vector<64x32xf32>
    %add3A_162 = arith.addf %reduce_sum3A_156, %reduce_sum3A_161 : vector<64x32xf32>
    %broadcast_in_dim3A_163 = vector.shape_cast %slice3A_151 : vector<64x16xf32> to vector<64x1x16xf32>
    %mul3A_164 = vector.broadcast %broadcast_in_dim3A_163 : vector<64x1x16xf32> to vector<64x32x16xf32>
    %mul3A_165 = arith.mulf %mul3A_164, %add3A : vector<64x32x16xf32>
    %reduce_sum3A_166 = arith.constant dense<0.000000e+00> : vector<64x32xf32>
    %reduce_sum3A_167 = vector.multi_reduction <add>, %mul3A_165, %reduce_sum3A_166 [2] : vector<64x32x16xf32> to vector<64x32xf32>
    %add3A_168 = arith.addf %add3A_162, %reduce_sum3A_167 : vector<64x32xf32>
    %mul3A_169 = arith.constant 0.102062076 : f32
    %mul3A_170 = vector.broadcast %mul3A_169 : f32 to vector<64x32xf32>
    %mul3A_171 = arith.mulf %add3A_168, %mul3A_170 : vector<64x32xf32>
    %reduce_max3A_172 = arith.constant dense<0xFF800000> : vector<64xf32>
    %reduce_max3A_173 = vector.multi_reduction <maximumf>, %mul3A_171, %reduce_max3A_172 [1] : vector<64x32xf32> to vector<64xf32>
    %broadcast_in_dim3A_174 = vector.shape_cast %reduce_max3A_173 : vector<64xf32> to vector<64x1xf32>
    %sub3A_175 = vector.broadcast %broadcast_in_dim3A_174 : vector<64x1xf32> to vector<64x32xf32>
    %sub3A_176 = arith.subf %mul3A_171, %sub3A_175 : vector<64x32xf32>
    %exp3A_177 = math.exp %sub3A_176 : vector<64x32xf32>
    %reduce_sum3A_178 = arith.constant dense<0.000000e+00> : vector<64xf32>
    %reduce_sum3A_179 = vector.multi_reduction <add>, %exp3A_177, %reduce_sum3A_178 [1] : vector<64x32xf32> to vector<64xf32>
    %broadcast_in_dim3A_180 = vector.shape_cast %reduce_sum3A_179 : vector<64xf32> to vector<64x1xf32>
    %div3A_181 = vector.broadcast %broadcast_in_dim3A_180 : vector<64x1xf32> to vector<64x32xf32>
    %div3A_182 = arith.divf %exp3A_177, %div3A_181 : vector<64x32xf32>
    %broadcast_in_dim3A_183 = vector.shape_cast %div3A_182 : vector<64x32xf32> to vector<64x32x1xf32>
    %mul3A_184 = vector.broadcast %broadcast_in_dim3A_183 : vector<64x32x1xf32> to vector<64x32x192xf32>
    %mul3A_185 = arith.mulf %mul3A_184, %slice3A : vector<64x32x192xf32>
    %reduce_sum3A_186 = arith.constant dense<0.000000e+00> : vector<64x192xf32>
    %reduce_sum3A_187 = vector.multi_reduction <add>, %mul3A_185, %reduce_sum3A_186 [1] : vector<64x32x192xf32> to vector<64x192xf32>
    %slice3A_188 = vector.extract_strided_slice %get3A_27 {offsets = [0, 192], sizes = [192, 64], strides = [1, 1]} : vector<192x512xf32> to vector<192x64xf32>
    %dot_general3A_189 = arith.constant dense<0.000000e+00> : vector<64x64xf32>
    %dot_general3A_190 = tpu.matmul %reduce_sum3A_187, %slice3A_188, %dot_general3A_189 {dimension_numbers = #tpu.dot_dimension_numbers<[1], [0], [0], [1], [0, 0, 1, 1], [], []>, transpose_lhs_hint = false} : vector<64x192xf32>, vector<192x64xf32>, vector<64x64xf32> -> vector<64x64xf32>
    %slice3A_191 = vector.extract_strided_slice %get3A_21 {offsets = [0, 768], sizes = [64, 192], strides = [1, 1]} : vector<64x1536xf32> to vector<64x192xf32>
    %slice3A_192 = vector.extract_strided_slice %get3A_24 {offsets = [0, 128], sizes = [64, 16], strides = [1, 1]} : vector<64x256xf32> to vector<64x16xf32>
    %slice3A_193 = vector.extract_strided_slice %get3A_24 {offsets = [0, 144], sizes = [64, 16], strides = [1, 1]} : vector<64x256xf32> to vector<64x16xf32>
    %broadcast_in_dim3A_194 = vector.shape_cast %slice3A_191 : vector<64x192xf32> to vector<64x1x192xf32>
    %mul3A_195 = vector.broadcast %broadcast_in_dim3A_194 : vector<64x1x192xf32> to vector<64x32x192xf32>
    %mul3A_196 = arith.mulf %mul3A_195, %slice3A : vector<64x32x192xf32>
    %reduce_sum3A_197 = arith.constant dense<0.000000e+00> : vector<64x32xf32>
    %reduce_sum3A_198 = vector.multi_reduction <add>, %mul3A_196, %reduce_sum3A_197 [2] : vector<64x32x192xf32> to vector<64x32xf32>
    %broadcast_in_dim3A_199 = vector.shape_cast %slice3A_192 : vector<64x16xf32> to vector<64x1x16xf32>
    %mul3A_200 = vector.broadcast %broadcast_in_dim3A_199 : vector<64x1x16xf32> to vector<64x32x16xf32>
    %mul3A_201 = arith.mulf %mul3A_200, %sub3A : vector<64x32x16xf32>
    %reduce_sum3A_202 = arith.constant dense<0.000000e+00> : vector<64x32xf32>
    %reduce_sum3A_203 = vector.multi_reduction <add>, %mul3A_201, %reduce_sum3A_202 [2] : vector<64x32x16xf32> to vector<64x32xf32>
    %add3A_204 = arith.addf %reduce_sum3A_198, %reduce_sum3A_203 : vector<64x32xf32>
    %broadcast_in_dim3A_205 = vector.shape_cast %slice3A_193 : vector<64x16xf32> to vector<64x1x16xf32>
    %mul3A_206 = vector.broadcast %broadcast_in_dim3A_205 : vector<64x1x16xf32> to vector<64x32x16xf32>
    %mul3A_207 = arith.mulf %mul3A_206, %add3A : vector<64x32x16xf32>
    %reduce_sum3A_208 = arith.constant dense<0.000000e+00> : vector<64x32xf32>
    %reduce_sum3A_209 = vector.multi_reduction <add>, %mul3A_207, %reduce_sum3A_208 [2] : vector<64x32x16xf32> to vector<64x32xf32>
    %add3A_210 = arith.addf %add3A_204, %reduce_sum3A_209 : vector<64x32xf32>
    %mul3A_211 = arith.constant 0.102062076 : f32
    %mul3A_212 = vector.broadcast %mul3A_211 : f32 to vector<64x32xf32>
    %mul3A_213 = arith.mulf %add3A_210, %mul3A_212 : vector<64x32xf32>
    %reduce_max3A_214 = arith.constant dense<0xFF800000> : vector<64xf32>
    %reduce_max3A_215 = vector.multi_reduction <maximumf>, %mul3A_213, %reduce_max3A_214 [1] : vector<64x32xf32> to vector<64xf32>
    %broadcast_in_dim3A_216 = vector.shape_cast %reduce_max3A_215 : vector<64xf32> to vector<64x1xf32>
    %sub3A_217 = vector.broadcast %broadcast_in_dim3A_216 : vector<64x1xf32> to vector<64x32xf32>
    %sub3A_218 = arith.subf %mul3A_213, %sub3A_217 : vector<64x32xf32>
    %exp3A_219 = math.exp %sub3A_218 : vector<64x32xf32>
    %reduce_sum3A_220 = arith.constant dense<0.000000e+00> : vector<64xf32>
    %reduce_sum3A_221 = vector.multi_reduction <add>, %exp3A_219, %reduce_sum3A_220 [1] : vector<64x32xf32> to vector<64xf32>
    %broadcast_in_dim3A_222 = vector.shape_cast %reduce_sum3A_221 : vector<64xf32> to vector<64x1xf32>
    %div3A_223 = vector.broadcast %broadcast_in_dim3A_222 : vector<64x1xf32> to vector<64x32xf32>
    %div3A_224 = arith.divf %exp3A_219, %div3A_223 : vector<64x32xf32>
    %broadcast_in_dim3A_225 = vector.shape_cast %div3A_224 : vector<64x32xf32> to vector<64x32x1xf32>
    %mul3A_226 = vector.broadcast %broadcast_in_dim3A_225 : vector<64x32x1xf32> to vector<64x32x192xf32>
    %mul3A_227 = arith.mulf %mul3A_226, %slice3A : vector<64x32x192xf32>
    %reduce_sum3A_228 = arith.constant dense<0.000000e+00> : vector<64x192xf32>
    %reduce_sum3A_229 = vector.multi_reduction <add>, %mul3A_227, %reduce_sum3A_228 [1] : vector<64x32x192xf32> to vector<64x192xf32>
    %slice3A_230 = vector.extract_strided_slice %get3A_27 {offsets = [0, 256], sizes = [192, 64], strides = [1, 1]} : vector<192x512xf32> to vector<192x64xf32>
    %dot_general3A_231 = arith.constant dense<0.000000e+00> : vector<64x64xf32>
    %dot_general3A_232 = tpu.matmul %reduce_sum3A_229, %slice3A_230, %dot_general3A_231 {dimension_numbers = #tpu.dot_dimension_numbers<[1], [0], [0], [1], [0, 0, 1, 1], [], []>, transpose_lhs_hint = false} : vector<64x192xf32>, vector<192x64xf32>, vector<64x64xf32> -> vector<64x64xf32>
    %slice3A_233 = vector.extract_strided_slice %get3A_21 {offsets = [0, 960], sizes = [64, 192], strides = [1, 1]} : vector<64x1536xf32> to vector<64x192xf32>
    %slice3A_234 = vector.extract_strided_slice %get3A_24 {offsets = [0, 160], sizes = [64, 16], strides = [1, 1]} : vector<64x256xf32> to vector<64x16xf32>
    %slice3A_235 = vector.extract_strided_slice %get3A_24 {offsets = [0, 176], sizes = [64, 16], strides = [1, 1]} : vector<64x256xf32> to vector<64x16xf32>
    %broadcast_in_dim3A_236 = vector.shape_cast %slice3A_233 : vector<64x192xf32> to vector<64x1x192xf32>
    %mul3A_237 = vector.broadcast %broadcast_in_dim3A_236 : vector<64x1x192xf32> to vector<64x32x192xf32>
    %mul3A_238 = arith.mulf %mul3A_237, %slice3A : vector<64x32x192xf32>
    %reduce_sum3A_239 = arith.constant dense<0.000000e+00> : vector<64x32xf32>
    %reduce_sum3A_240 = vector.multi_reduction <add>, %mul3A_238, %reduce_sum3A_239 [2] : vector<64x32x192xf32> to vector<64x32xf32>
    %broadcast_in_dim3A_241 = vector.shape_cast %slice3A_234 : vector<64x16xf32> to vector<64x1x16xf32>
    %mul3A_242 = vector.broadcast %broadcast_in_dim3A_241 : vector<64x1x16xf32> to vector<64x32x16xf32>
    %mul3A_243 = arith.mulf %mul3A_242, %sub3A : vector<64x32x16xf32>
    %reduce_sum3A_244 = arith.constant dense<0.000000e+00> : vector<64x32xf32>
    %reduce_sum3A_245 = vector.multi_reduction <add>, %mul3A_243, %reduce_sum3A_244 [2] : vector<64x32x16xf32> to vector<64x32xf32>
    %add3A_246 = arith.addf %reduce_sum3A_240, %reduce_sum3A_245 : vector<64x32xf32>
    %broadcast_in_dim3A_247 = vector.shape_cast %slice3A_235 : vector<64x16xf32> to vector<64x1x16xf32>
    %mul3A_248 = vector.broadcast %broadcast_in_dim3A_247 : vector<64x1x16xf32> to vector<64x32x16xf32>
    %mul3A_249 = arith.mulf %mul3A_248, %add3A : vector<64x32x16xf32>
    %reduce_sum3A_250 = arith.constant dense<0.000000e+00> : vector<64x32xf32>
    %reduce_sum3A_251 = vector.multi_reduction <add>, %mul3A_249, %reduce_sum3A_250 [2] : vector<64x32x16xf32> to vector<64x32xf32>
    %add3A_252 = arith.addf %add3A_246, %reduce_sum3A_251 : vector<64x32xf32>
    %mul3A_253 = arith.constant 0.102062076 : f32
    %mul3A_254 = vector.broadcast %mul3A_253 : f32 to vector<64x32xf32>
    %mul3A_255 = arith.mulf %add3A_252, %mul3A_254 : vector<64x32xf32>
    %reduce_max3A_256 = arith.constant dense<0xFF800000> : vector<64xf32>
    %reduce_max3A_257 = vector.multi_reduction <maximumf>, %mul3A_255, %reduce_max3A_256 [1] : vector<64x32xf32> to vector<64xf32>
    %broadcast_in_dim3A_258 = vector.shape_cast %reduce_max3A_257 : vector<64xf32> to vector<64x1xf32>
    %sub3A_259 = vector.broadcast %broadcast_in_dim3A_258 : vector<64x1xf32> to vector<64x32xf32>
    %sub3A_260 = arith.subf %mul3A_255, %sub3A_259 : vector<64x32xf32>
    %exp3A_261 = math.exp %sub3A_260 : vector<64x32xf32>
    %reduce_sum3A_262 = arith.constant dense<0.000000e+00> : vector<64xf32>
    %reduce_sum3A_263 = vector.multi_reduction <add>, %exp3A_261, %reduce_sum3A_262 [1] : vector<64x32xf32> to vector<64xf32>
    %broadcast_in_dim3A_264 = vector.shape_cast %reduce_sum3A_263 : vector<64xf32> to vector<64x1xf32>
    %div3A_265 = vector.broadcast %broadcast_in_dim3A_264 : vector<64x1xf32> to vector<64x32xf32>
    %div3A_266 = arith.divf %exp3A_261, %div3A_265 : vector<64x32xf32>
    %broadcast_in_dim3A_267 = vector.shape_cast %div3A_266 : vector<64x32xf32> to vector<64x32x1xf32>
    %mul3A_268 = vector.broadcast %broadcast_in_dim3A_267 : vector<64x32x1xf32> to vector<64x32x192xf32>
    %mul3A_269 = arith.mulf %mul3A_268, %slice3A : vector<64x32x192xf32>
    %reduce_sum3A_270 = arith.constant dense<0.000000e+00> : vector<64x192xf32>
    %reduce_sum3A_271 = vector.multi_reduction <add>, %mul3A_269, %reduce_sum3A_270 [1] : vector<64x32x192xf32> to vector<64x192xf32>
    %slice3A_272 = vector.extract_strided_slice %get3A_27 {offsets = [0, 320], sizes = [192, 64], strides = [1, 1]} : vector<192x512xf32> to vector<192x64xf32>
    %dot_general3A_273 = arith.constant dense<0.000000e+00> : vector<64x64xf32>
    %dot_general3A_274 = tpu.matmul %reduce_sum3A_271, %slice3A_272, %dot_general3A_273 {dimension_numbers = #tpu.dot_dimension_numbers<[1], [0], [0], [1], [0, 0, 1, 1], [], []>, transpose_lhs_hint = false} : vector<64x192xf32>, vector<192x64xf32>, vector<64x64xf32> -> vector<64x64xf32>
    %slice3A_275 = vector.extract_strided_slice %get3A_21 {offsets = [0, 1152], sizes = [64, 192], strides = [1, 1]} : vector<64x1536xf32> to vector<64x192xf32>
    %slice3A_276 = vector.extract_strided_slice %get3A_24 {offsets = [0, 192], sizes = [64, 16], strides = [1, 1]} : vector<64x256xf32> to vector<64x16xf32>
    %slice3A_277 = vector.extract_strided_slice %get3A_24 {offsets = [0, 208], sizes = [64, 16], strides = [1, 1]} : vector<64x256xf32> to vector<64x16xf32>
    %broadcast_in_dim3A_278 = vector.shape_cast %slice3A_275 : vector<64x192xf32> to vector<64x1x192xf32>
    %mul3A_279 = vector.broadcast %broadcast_in_dim3A_278 : vector<64x1x192xf32> to vector<64x32x192xf32>
    %mul3A_280 = arith.mulf %mul3A_279, %slice3A : vector<64x32x192xf32>
    %reduce_sum3A_281 = arith.constant dense<0.000000e+00> : vector<64x32xf32>
    %reduce_sum3A_282 = vector.multi_reduction <add>, %mul3A_280, %reduce_sum3A_281 [2] : vector<64x32x192xf32> to vector<64x32xf32>
    %broadcast_in_dim3A_283 = vector.shape_cast %slice3A_276 : vector<64x16xf32> to vector<64x1x16xf32>
    %mul3A_284 = vector.broadcast %broadcast_in_dim3A_283 : vector<64x1x16xf32> to vector<64x32x16xf32>
    %mul3A_285 = arith.mulf %mul3A_284, %sub3A : vector<64x32x16xf32>
    %reduce_sum3A_286 = arith.constant dense<0.000000e+00> : vector<64x32xf32>
    %reduce_sum3A_287 = vector.multi_reduction <add>, %mul3A_285, %reduce_sum3A_286 [2] : vector<64x32x16xf32> to vector<64x32xf32>
    %add3A_288 = arith.addf %reduce_sum3A_282, %reduce_sum3A_287 : vector<64x32xf32>
    %broadcast_in_dim3A_289 = vector.shape_cast %slice3A_277 : vector<64x16xf32> to vector<64x1x16xf32>
    %mul3A_290 = vector.broadcast %broadcast_in_dim3A_289 : vector<64x1x16xf32> to vector<64x32x16xf32>
    %mul3A_291 = arith.mulf %mul3A_290, %add3A : vector<64x32x16xf32>
    %reduce_sum3A_292 = arith.constant dense<0.000000e+00> : vector<64x32xf32>
    %reduce_sum3A_293 = vector.multi_reduction <add>, %mul3A_291, %reduce_sum3A_292 [2] : vector<64x32x16xf32> to vector<64x32xf32>
    %add3A_294 = arith.addf %add3A_288, %reduce_sum3A_293 : vector<64x32xf32>
    %mul3A_295 = arith.constant 0.102062076 : f32
    %mul3A_296 = vector.broadcast %mul3A_295 : f32 to vector<64x32xf32>
    %mul3A_297 = arith.mulf %add3A_294, %mul3A_296 : vector<64x32xf32>
    %reduce_max3A_298 = arith.constant dense<0xFF800000> : vector<64xf32>
    %reduce_max3A_299 = vector.multi_reduction <maximumf>, %mul3A_297, %reduce_max3A_298 [1] : vector<64x32xf32> to vector<64xf32>
    %broadcast_in_dim3A_300 = vector.shape_cast %reduce_max3A_299 : vector<64xf32> to vector<64x1xf32>
    %sub3A_301 = vector.broadcast %broadcast_in_dim3A_300 : vector<64x1xf32> to vector<64x32xf32>
    %sub3A_302 = arith.subf %mul3A_297, %sub3A_301 : vector<64x32xf32>
    %exp3A_303 = math.exp %sub3A_302 : vector<64x32xf32>
    %reduce_sum3A_304 = arith.constant dense<0.000000e+00> : vector<64xf32>
    %reduce_sum3A_305 = vector.multi_reduction <add>, %exp3A_303, %reduce_sum3A_304 [1] : vector<64x32xf32> to vector<64xf32>
    %broadcast_in_dim3A_306 = vector.shape_cast %reduce_sum3A_305 : vector<64xf32> to vector<64x1xf32>
    %div3A_307 = vector.broadcast %broadcast_in_dim3A_306 : vector<64x1xf32> to vector<64x32xf32>
    %div3A_308 = arith.divf %exp3A_303, %div3A_307 : vector<64x32xf32>
    %broadcast_in_dim3A_309 = vector.shape_cast %div3A_308 : vector<64x32xf32> to vector<64x32x1xf32>
    %mul3A_310 = vector.broadcast %broadcast_in_dim3A_309 : vector<64x32x1xf32> to vector<64x32x192xf32>
    %mul3A_311 = arith.mulf %mul3A_310, %slice3A : vector<64x32x192xf32>
    %reduce_sum3A_312 = arith.constant dense<0.000000e+00> : vector<64x192xf32>
    %reduce_sum3A_313 = vector.multi_reduction <add>, %mul3A_311, %reduce_sum3A_312 [1] : vector<64x32x192xf32> to vector<64x192xf32>
    %slice3A_314 = vector.extract_strided_slice %get3A_27 {offsets = [0, 384], sizes = [192, 64], strides = [1, 1]} : vector<192x512xf32> to vector<192x64xf32>
    %dot_general3A_315 = arith.constant dense<0.000000e+00> : vector<64x64xf32>
    %dot_general3A_316 = tpu.matmul %reduce_sum3A_313, %slice3A_314, %dot_general3A_315 {dimension_numbers = #tpu.dot_dimension_numbers<[1], [0], [0], [1], [0, 0, 1, 1], [], []>, transpose_lhs_hint = false} : vector<64x192xf32>, vector<192x64xf32>, vector<64x64xf32> -> vector<64x64xf32>
    %slice3A_317 = vector.extract_strided_slice %get3A_21 {offsets = [0, 1344], sizes = [64, 192], strides = [1, 1]} : vector<64x1536xf32> to vector<64x192xf32>
    %slice3A_318 = vector.extract_strided_slice %get3A_24 {offsets = [0, 224], sizes = [64, 16], strides = [1, 1]} : vector<64x256xf32> to vector<64x16xf32>
    %slice3A_319 = vector.extract_strided_slice %get3A_24 {offsets = [0, 240], sizes = [64, 16], strides = [1, 1]} : vector<64x256xf32> to vector<64x16xf32>
    %broadcast_in_dim3A_320 = vector.shape_cast %slice3A_317 : vector<64x192xf32> to vector<64x1x192xf32>
    %mul3A_321 = vector.broadcast %broadcast_in_dim3A_320 : vector<64x1x192xf32> to vector<64x32x192xf32>
    %mul3A_322 = arith.mulf %mul3A_321, %slice3A : vector<64x32x192xf32>
    %reduce_sum3A_323 = arith.constant dense<0.000000e+00> : vector<64x32xf32>
    %reduce_sum3A_324 = vector.multi_reduction <add>, %mul3A_322, %reduce_sum3A_323 [2] : vector<64x32x192xf32> to vector<64x32xf32>
    %broadcast_in_dim3A_325 = vector.shape_cast %slice3A_318 : vector<64x16xf32> to vector<64x1x16xf32>
    %mul3A_326 = vector.broadcast %broadcast_in_dim3A_325 : vector<64x1x16xf32> to vector<64x32x16xf32>
    %mul3A_327 = arith.mulf %mul3A_326, %sub3A : vector<64x32x16xf32>
    %reduce_sum3A_328 = arith.constant dense<0.000000e+00> : vector<64x32xf32>
    %reduce_sum3A_329 = vector.multi_reduction <add>, %mul3A_327, %reduce_sum3A_328 [2] : vector<64x32x16xf32> to vector<64x32xf32>
    %add3A_330 = arith.addf %reduce_sum3A_324, %reduce_sum3A_329 : vector<64x32xf32>
    %broadcast_in_dim3A_331 = vector.shape_cast %slice3A_319 : vector<64x16xf32> to vector<64x1x16xf32>
    %mul3A_332 = vector.broadcast %broadcast_in_dim3A_331 : vector<64x1x16xf32> to vector<64x32x16xf32>
    %mul3A_333 = arith.mulf %mul3A_332, %add3A : vector<64x32x16xf32>
    %reduce_sum3A_334 = arith.constant dense<0.000000e+00> : vector<64x32xf32>
    %reduce_sum3A_335 = vector.multi_reduction <add>, %mul3A_333, %reduce_sum3A_334 [2] : vector<64x32x16xf32> to vector<64x32xf32>
    %add3A_336 = arith.addf %add3A_330, %reduce_sum3A_335 : vector<64x32xf32>
    %mul3A_337 = arith.constant 0.102062076 : f32
    %mul3A_338 = vector.broadcast %mul3A_337 : f32 to vector<64x32xf32>
    %mul3A_339 = arith.mulf %add3A_336, %mul3A_338 : vector<64x32xf32>
    %reduce_max3A_340 = arith.constant dense<0xFF800000> : vector<64xf32>
    %reduce_max3A_341 = vector.multi_reduction <maximumf>, %mul3A_339, %reduce_max3A_340 [1] : vector<64x32xf32> to vector<64xf32>
    %broadcast_in_dim3A_342 = vector.shape_cast %reduce_max3A_341 : vector<64xf32> to vector<64x1xf32>
    %sub3A_343 = vector.broadcast %broadcast_in_dim3A_342 : vector<64x1xf32> to vector<64x32xf32>
    %sub3A_344 = arith.subf %mul3A_339, %sub3A_343 : vector<64x32xf32>
    %exp3A_345 = math.exp %sub3A_344 : vector<64x32xf32>
    %reduce_sum3A_346 = arith.constant dense<0.000000e+00> : vector<64xf32>
    %reduce_sum3A_347 = vector.multi_reduction <add>, %exp3A_345, %reduce_sum3A_346 [1] : vector<64x32xf32> to vector<64xf32>
    %broadcast_in_dim3A_348 = vector.shape_cast %reduce_sum3A_347 : vector<64xf32> to vector<64x1xf32>
    %div3A_349 = vector.broadcast %broadcast_in_dim3A_348 : vector<64x1xf32> to vector<64x32xf32>
    %div3A_350 = arith.divf %exp3A_345, %div3A_349 : vector<64x32xf32>
    %broadcast_in_dim3A_351 = vector.shape_cast %div3A_350 : vector<64x32xf32> to vector<64x32x1xf32>
    %mul3A_352 = vector.broadcast %broadcast_in_dim3A_351 : vector<64x32x1xf32> to vector<64x32x192xf32>
    %mul3A_353 = arith.mulf %mul3A_352, %slice3A : vector<64x32x192xf32>
    %reduce_sum3A_354 = arith.constant dense<0.000000e+00> : vector<64x192xf32>
    %reduce_sum3A_355 = vector.multi_reduction <add>, %mul3A_353, %reduce_sum3A_354 [1] : vector<64x32x192xf32> to vector<64x192xf32>
    %slice3A_356 = vector.extract_strided_slice %get3A_27 {offsets = [0, 448], sizes = [192, 64], strides = [1, 1]} : vector<192x512xf32> to vector<192x64xf32>
    %dot_general3A_357 = arith.constant dense<0.000000e+00> : vector<64x64xf32>
    %dot_general3A_358 = tpu.matmul %reduce_sum3A_355, %slice3A_356, %dot_general3A_357 {dimension_numbers = #tpu.dot_dimension_numbers<[1], [0], [0], [1], [0, 0, 1, 1], [], []>, transpose_lhs_hint = false} : vector<64x192xf32>, vector<192x64xf32>, vector<64x64xf32> -> vector<64x64xf32>
    %concatenate3A = tpu.concatenate %dot_general3A_64, %dot_general3A_106, %dot_general3A_148, %dot_general3A_190, %dot_general3A_232, %dot_general3A_274, %dot_general3A_316, %dot_general3A_358 in 1 : vector<64x64xf32>, vector<64x64xf32>, vector<64x64xf32>, vector<64x64xf32>, vector<64x64xf32>, vector<64x64xf32>, vector<64x64xf32>, vector<64x64xf32> -> vector<64x512xf32>
    %get3A_359 = arith.constant 0 : index
    %get3A_360 = arith.constant 0 : index
    %get3A_361 = vector.load %arg7[%get3A_359, %get3A_360] : memref<512x768xf32, #tpu.memory_space<vmem>>, vector<512x768xf32>
    %dot_general3A_362 = arith.constant dense<0.000000e+00> : vector<64x768xf32>
    %dot_general3A_363 = tpu.matmul %concatenate3A, %get3A_361, %dot_general3A_362 {dimension_numbers = #tpu.dot_dimension_numbers<[1], [0], [0], [1], [0, 0, 1, 1], [], []>, transpose_lhs_hint = false} : vector<64x512xf32>, vector<512x768xf32>, vector<64x768xf32> -> vector<64x768xf32>
    %swap3A = arith.constant 0 : index
    %swap3A_364 = arith.constant 0 : index
    %swap3A_365 = vector.load %arg8[%swap3A, %swap3A_364] : memref<64x768xf32, #tpu.memory_space<vmem>>, vector<64x768xf32>
    tpu.vector_store %arg8[%swap3A, %swap3A_364], %dot_general3A_363 {strides = array<i32>} : memref<64x768xf32, #tpu.memory_space<vmem>>, vector<64x768xf32>,
    return
  }
  func.func @transform_0(%arg0: i32) -> (i32, i32, i32) {
    %c0_i32 = arith.constant 0 : i32
    %c0_i32_0 = arith.constant 0 : i32
    %c0_i32_1 = arith.constant 0 : i32
    return %arg0, %c0_i32, %c0_i32_0 : i32, i32, i32
  }
  func.func @transform_1(%arg0: i32) -> (i32, i32) {
    %c0_i32 = arith.constant 0 : i32
    %c0_i32_0 = arith.constant 0 : i32
    return %arg0, %c0_i32 : i32, i32
  }
  func.func @transform_2(%arg0: i32) -> (i32, i32) {
    %c0_i32 = arith.constant 0 : i32
    %c0_i32_0 = arith.constant 0 : i32
    return %arg0, %c0_i32 : i32, i32
  }
  func.func @transform_3(%arg0: i32) -> (i32, i32) {
    %c0_i32 = arith.constant 0 : i32
    %c0_i32_0 = arith.constant 0 : i32
    %c0_i32_1 = arith.constant 0 : i32
    return %c0_i32, %c0_i32_0 : i32, i32
  }
  func.func @transform_4(%arg0: i32) -> (i32, i32) {
    %c0_i32 = arith.constant 0 : i32
    %c0_i32_0 = arith.constant 0 : i32
    %c0_i32_1 = arith.constant 0 : i32
    return %c0_i32, %c0_i32_0 : i32, i32
  }
  func.func @transform_5(%arg0: i32) -> (i32, i32) {
    %c0_i32 = arith.constant 0 : i32
    %c0_i32_0 = arith.constant 0 : i32
    %c0_i32_1 = arith.constant 0 : i32
    return %c0_i32, %c0_i32_0 : i32, i32
  }
  func.func @transform_6(%arg0: i32) -> (i32, i32) {
    %c0_i32 = arith.constant 0 : i32
    %c0_i32_0 = arith.constant 0 : i32
    %c0_i32_1 = arith.constant 0 : i32
    return %c0_i32, %c0_i32_0 : i32, i32
  }
  func.func @transform_7(%arg0: i32) -> (i32, i32) {
    %c0_i32 = arith.constant 0 : i32
    %c0_i32_0 = arith.constant 0 : i32
    return %arg0, %c0_i32 : i32, i32
  }
}

</mosaic_0001>

<sc_bundles>
// kernel: kernel.6.cloned.1.call-start
scs
__scs_entry_jumppad:
0x0: {  	(pc) =	sbr.rel $0x88, $3  }
0x1: {  	(tag) =	ssettag $0x0;
	lr =	simm.s32 $0x1  }
0x2: {  	[smem:$0x3F94] =	sst lr;
	_ =	strace $0xD0000000  }
0x3: {  	_ = 	snop  }
0x4: {  	_ = 	snop  }
0x5: {  	_ = 	snop  }
0x6: {  	_ = 	snop  }
0x7: {  	_ = 	snop  }
__scs_overlays_trampoline_lowered:
0x8: {  	[smem:$0x3FA3] =	sst s0  }
0x9: {  	[smem:$0x3FA4] =	sst s1  }
0xa: {  	[smem:$0x3FA5] =	sst s2  }
0xb: {  	[smem:$0x3FA6] =	sst s3  }
0xc: {  	[smem:$0x3FA7] =	sst s4  }
0xd: {  	[smem:$0x3FA8] =	sst s5  }
0xe: {  	[smem:$0x3FA9] =	sst s6  }
0xf: {  	[smem:$0x3FAA] =	sst s7  }
0x10: {  	[smem:$0x3FAB] =	sst s8  }
0x11: {  	[smem:$0x3FAC] =	sst s9;
	s0 =	simm.s32 @!p0 $0x0  }
0x12: {  	s1 =	sld [smem:$0x3F92];
	s0 =	simm.s32 @p0 $0x1  }
0x13: {  	[smem:$0x3FAD] =	sst s0;
	s0 =	simm.s32 @!p1 $0x0  }
0x14: {  	s2 =	sld [smem:$0x3F91];
	s0 =	simm.s32 @p1 $0x1  }
0x15: {  	[smem:$0x3FAE] =	sst s0;
	s0 =	simm.s32 @!p2 $0x0  }
0x16: {  	s3 =	sld [smem:$0x3FDB];
	s0 =	simm.s32 @p2 $0x1  }
0x17: {  	s4 =	simm.s32 $0x1BF5;
	[smem:$0x3FB0] =	sst s0  }
0x18: {  	s0 =	sld [smem:$0x3F93];
	_ =	swait.ge [sflag:s4], $0x0  }
0x19: {  	s7 =	sld [smem:$0x3F94]  }
0x1a: {  	s8 =	sadd.s32 $0xFFFFE003, lr  }
0x1b: {  	s9 =	sadd.s32 $0xFFFFFEF7, lr;
	s5 =	simm.s32 $0xFFFFFFFF;
	p2 =	slt.u32 s8, $0xFFFFF086  }
0x1c: {  	p1 =	slt.u32 s9, $0xF7A;
	s5 =	simm.s32 @!p2 $0x0  }
0x1d: {  	s5 =	simm.s32 @p1 $0x1;
	p0 =	seq.s32 s7, s2  }
0x1e: {  	s7 =	smul.u32 @!p0 $0xF7A, s2;
	p2 =	seq.s32 @!p0 s5, $0x0  }
0x1f: {  	s9 =	smul.u32 $0xF7A, s1;
	s8 =	simm.s32 @!p0 $0x1BF5;
	p2 =	por !p2, p0  }
0x20: {  	[sflag:s8] =	ssyncset.s32 @!p0 $0xFFFFF086;
	s6 =	sadd.s32 @!p0 s3, s7;
	s7 =	simm.s32 @!p0 $0x108  }
0x21: {  	s3 =	sadd.s32 s3, s9;
	s6 =	sadd.s32 @!p0 $0x88, s6;
	s7 =	simm.s32 @p2 $0x1082  }
0x22: {  	[simem:s7], [sflag:s8] =	dma.local @!p0 [hbm:s6], $0xF7A  }
0x23: {  	s9 =	sor.u32 $0xD0000000, s2;
	s6 =	simm.s32 $0x108;
	_ =	swait.ge @!p0 [sflag:s8], $0x0  }
0x24: {  	s3 =	sadd.s32 $0x88, s3;
	s6 =	simm.s32 @!p1 $0x1082;
	[sflag:s4] =	ssyncset.s32 $0xFFFFF086  }
0x25: {  	[simem:s6], [sflag:s4] =	dma.local [hbm:s3], $0xF7A  }
0x26: {  	[smem:$0x3F94] =	sst s1;
	(tag) =	ssettag s2;
	_ =	strace s9  }
0x27: {  	s1 =	sld [smem:$0x3FA4]  }
0x28: {  	s2 =	sld [smem:$0x3FA5]  }
0x29: {  	s4 =	sld [smem:$0x3FA7]  }
0x2a: {  	p0 =	seq.s32 s5, $0x0;
	s5 =	sld [smem:$0x3FA8]  }
0x2b: {  	s6 =	sld [smem:$0x3FA9]  }
0x2c: {  	s7 =	sld [smem:$0x3FAA]  }
0x2d: {  	s3 =	simm.s32 $0x108;
	s8 =	sld [smem:$0x3FAB]  }
0x2e: {  	s3 =	simm.s32 @!p0 $0x1082;
	s9 =	sld [smem:$0x3FAC]  }
0x2f: {  	lr =	sadd.s32 s0, s3;
	s0 =	sld [smem:$0x3FA3]  }
0x30: {  	s3 =	sld [smem:$0x3FA6]  }
0x31: {  	[smem:$0x3FAF] =	sst s10  }
0x32: {  	s10 =	sld [smem:$0x3FAD];
	_ =	sdelay $0x3  }
0x33: {  	p0 =	seq.s32 s10, $0x1;
	s10 =	sld [smem:$0x3FAF];
	_ =	sdelay $0x3  }
0x34: {  	[smem:$0x3FAF] =	sst s10  }
0x35: {  	s10 =	sld [smem:$0x3FAE];
	_ =	sdelay $0x3  }
0x36: {  	p1 =	seq.s32 s10, $0x1;
	s10 =	sld [smem:$0x3FAF];
	_ =	sdelay $0x3  }
0x37: {  	[smem:$0x3FAF] =	sst s10  }
0x38: {  	s10 =	sld [smem:$0x3FB0]  }
0x39: {  	_ = 	snop;
	(pc) =	sbr.ind lr, $3  }
0x3a: {  	_ = 	snop  }
0x3b: {  	_ = 	snop  }
0x3c: {  	p2 =	seq.s32 s10, $0x1;
	s10 =	sld [smem:$0x3FAF]  }
0x3d: {  	_ =	shalt  }
0x3e: {  	_ =	shalt  }
0x3f: {  	_ =	shalt  }
0x40: {  	_ =	shalt  }
0x41: {  	_ =	shalt  }
0x42: {  	_ =	shalt  }
0x43: {  	_ =	shalt  }
0x44: {  	_ =	shalt  }
0x45: {  	_ =	shalt  }
0x46: {  	_ =	shalt  }
0x47: {  	_ =	shalt  }
0x48: {  	_ =	shalt  }
0x49: {  	_ =	shalt  }
0x4a: {  	_ =	shalt  }
0x4b: {  	_ =	shalt  }
0x4c: {  	_ =	shalt  }
0x4d: {  	_ =	shalt  }
0x4e: {  	_ =	shalt  }
0x4f: {  	_ =	shalt  }
0x50: {  	_ =	shalt  }
0x51: {  	_ =	shalt  }
0x52: {  	_ =	shalt  }
0x53: {  	_ =	shalt  }
0x54: {  	_ =	shalt  }
0x55: {  	_ =	shalt  }
0x56: {  	_ =	shalt  }
0x57: {  	_ =	shalt  }
0x58: {  	_ =	shalt  }
0x59: {  	_ =	shalt  }
0x5a: {  	_ =	shalt  }
0x5b: {  	_ =	shalt  }
0x5c: {  	_ =	shalt  }
0x5d: {  	_ =	shalt  }
0x5e: {  	_ =	shalt  }
0x5f: {  	_ =	shalt  }
0x60: {  	_ =	shalt  }
0x61: {  	_ =	shalt  }
0x62: {  	_ =	shalt  }
0x63: {  	_ =	shalt  }
0x64: {  	_ =	shalt  }
0x65: {  	_ =	shalt  }
0x66: {  	_ =	shalt  }
0x67: {  	_ =	shalt  }
0x68: {  	_ =	shalt  }
0x69: {  	_ =	shalt  }
0x6a: {  	_ =	shalt  }
0x6b: {  	_ =	shalt  }
0x6c: {  	_ =	shalt  }
0x6d: {  	_ =	shalt  }
0x6e: {  	_ =	shalt  }
0x6f: {  	_ =	shalt  }
0x70: {  	_ =	shalt  }
0x71: {  	_ =	shalt  }
0x72: {  	_ =	shalt  }
0x73: {  	_ =	shalt  }
0x74: {  	_ =	shalt  }
0x75: {  	_ =	shalt  }
0x76: {  	_ =	shalt  }
0x77: {  	_ =	shalt  }
0x78: {  	_ =	shalt  }
0x79: {  	_ =	shalt  }
0x7a: {  	_ =	shalt  }
0x7b: {  	_ =	shalt  }
0x7c: {  	_ =	shalt  }
0x7d: {  	_ =	shalt  }
0x7e: {  	_ =	shalt  }
0x7f: {  	_ =	shalt  }
0x80: {  	_ =	shalt  }
0x81: {  	_ =	shalt  }
0x82: {  	_ =	shalt  }
0x83: {  	_ =	shalt  }
0x84: {  	_ =	shalt  }
0x85: {  	_ =	shalt  }
0x86: {  	_ =	shalt  }
0x87: {  	_ =	shalt  }
.Lfunc_end0:
.L_simem_size_0:
called_computation_lowered:
.L_overlay_start_0:
0x88: {  	s2 =	sld [smem:$0x3FD9]  }
0x89: {  	s3 =	sld [smem:$0x3FFE];
	_ =	sdelay $0x1  }
0x8a: {  	s1 =	srdreg.scid  }
0x8b: {  	s0 =	sand.u32 $0x1, s1  }
0x8c: {  	s17 =	sshll.u32 s0, $0xA;
	s2 =	sadd.s32 s3, s2  }
0x8d: {  	s2 =	sadd.s32 s2, s17  }
0x8e: {  	[smem:$0x3FBB] =	sst s2  }
0x8f: {  	_ = 	snop  }
0x90: {  	s2 =	sld [smem:$0x3FD0];
	(tm) =	ssettm $0x1  }
0x91: {  	s18 =	sld [smem:$0x3FFB];
	_ =	sdelay $0x3  }
0x92: {  	_ =	strace s18  }
0x93: {  	s3 =	sld [smem:$0x3FFC];
	_ =	sdelay $0x3  }
0x94: {  	_ =	strace s3  }
0x95: {  	s3 =	sld [smem:$0x3FFD];
	_ =	sdelay $0x3  }
0x96: {  	_ =	strace s3  }
0x97: {  	_ =	strace $0x8FFFFFFF  }
0x98: {  	s19 =	sld [smem:$0x3FDB];
	_ =	sdelay $0x1  }
0x99: {  	s4 =	simm.s32 $_scs_section_size  }
0x9a: {  	s5 =	simm.s32 $_size__tile_overlayer_lowered;
	s6 =	simm.s32 $_tile_overlayer_lowered  }
0x9b: {  	s22 =	simm.s32 $0x1BFF;
	s21 =	sshll.u32 s6, $0x1;
	s3 =	sadd.s32 s4, s19  }
0x9c: {  	s7 =	simm.s32 $0x0;
	s20 =	sshll.u32 s5, $0x1;
	s5 =	sadd.s32 s21, s3  }
0x9d: {  	[timem:s7], [sflag:s22] =	dma.local [hbm:s5], s20  }
0x9e: {  	_ =	swait.ge [sflag:s22], s20  }
0x9f: {  	s4 =	ssub.s32 $0x0, s20;
	[sflag:s22] =	ssyncset.done $0x0  }
0xa0: {  	[sflag:s22] =	ssyncadd.s32 s4;
	_ =	sdelay $0x1  }
0xa1: {  	s23 =	simm.s32 $0x1B8B  }
0xa2: {  	_ =	swait.ge [sflag:s23], $0x1  }
0xa3: {  	[sflag:s23] =	ssyncset.done $0x0  }
0xa4: {  	s25 =	simm.s32 $0x1B8E;
	s24 =	sld [smem:$0x3FFE];
	[sflag:s23] =	ssyncadd.s32 $0xFFFFFFFF  }
0xa5: {  	s26 =	simm.s32 $execute0_lowered;
	[smem:$0x3FD2] =	sst s25  }
0xa6: {  	s5 =	sshll.u32 s26, $0x1;
	_ =	strace $0x80000046;
	[dreg:$0x1] =	wrdreg $0xFFFFFFFF  }
0xa7: {  	s28 =	simm.s32 $_size_execute0_lowered;
	s3 =	sadd.s32 s3, s5;
	[dreg:$0x0] =	wrdreg $0x0  }
0xa8: {  	s5 =	sshll.u32 s28, $0x1;
	[dreg:$0x2] =	wrdreg s3  }
0xa9: {  	[dreg:$0x3] =	wrdreg s5  }
0xaa: {  	[dreg:$0x4] =	wrdreg $0xC0  }
0xab: {  	_ =	task [dreg:s7], $0x5FFFF  }
0xac: {  	[dreg:$0x1] =	wrdreg $0xFFFFFFFF  }
0xad: {  	[dreg:$0x0] =	wrdreg $0x60  }
0xae: {  	[dreg:$0x2] =	wrdreg s2  }
0xaf: {  	[dreg:$0x3] =	wrdreg s24  }
0xb0: {  	[dreg:$0x4] =	wrdreg $0x9  }
0xb1: {  	_ =	task.clear_ibuf [dreg:s7], $0x5FFFF;
	_ =	strace $0x90000046  }
0xb2: {  	s29 =	simm.s32 $0x9;
	_ =	strace $0x80000048  }
0xb3: {  	_ =	swait.ge [sflag:s29], $0x1  }
0xb4: {  	[sflag:s29] =	ssyncadd.s32 $0xFFFFFFFF  }
0xb5: {  	_ =	strace $0x90000048  }
0xb6: {  	_ =	sfence  }
0xb7: {  	s30 =	sld [smem:$0x0];
	_ =	sdelay $0x2  }
0xb8: {  	s31 =	sshll.u32 s1, $0xD;
	s1 =	sshrl.u32 s1, $0x2  }
0xb9: {  	s3 =	sand.u32 $0x4000, s31;
	s1 =	sadd.s32 s1, s30  }
0xba: {  	s0 =	sor.u32 s3, s0;
	s1 =	sshll.u32 s1, $0x11  }
0xbb: {  	s0 =	sor.u32 s1, s0  }
0xbc: {  	s0 =	sadd.s32 $0x8F2B, s0  }
0xbd: {  	[sflag:s0] =	ssyncadd.remote.s32 $0x1  }
0xbe: {  	_ =	sfence.sel $0xFFFF  }
0xbf: {  	[dreg:$0x0] =	wrdreg $0xFFFFFFFF;
	(pc) =	sbr.abs _section_cstart, $3  }
0xc0: {  	[dreg:$0x1] =	wrdreg $0xFFFFFFFF  }
0xc1: {  	_ =	task.clear_ibuf [dreg:s7], $0x2FFFF;
	_ =	strace $0x9FFFFFFF  }
0xc2: {  	(tm) =	ssettm $0x7FFFFFFF  }
0xc3: {  	_ =	shalt  }
tec
execute0_lowered:
.L_overlay_start_1:
0x0: {  	(tag) =	ssettag $0x1  }
0x1: {  	s1 =	rddreg [dreg:$0x0]  }
0x2: {  	s4 =	rddreg [dreg:$0x1]  }
0x3: {  	s0 =	rddreg [dreg:$0x2];
	s5 =	srdreg.scid  }
0x4: {  	s3 =	simm.s32 $0x0;
	s2 =	stileid.u32;
	s10 =	simm.s32 $0x1080  }
0x5: {  	s11 =	simm.s32 $0x1880;
	s12 =	simm.s32 $0x2080;
	s13 =	simm.s32 $0x2880  }
0x6: {  	s14 =	simm.s32 $0x3080;
	s15 =	simm.s32 $0x3880;
	s16 =	simm.s32 $0x4080  }
0x7: {  	s17 =	simm.s32 $0x4880;
	s18 =	simm.s32 $0x5080;
	s19 =	simm.s32 $0x5880  }
0x8: {  	s20 =	simm.s32 $0x6080;
	s21 =	simm.s32 $0x6880;
	s22 =	simm.s32 $0x7080  }
0x9: {  	s23 =	simm.s32 $0x7880;
	s24 =	simm.s32 $0x1;
	s25 =	simm.s32 $0x0  }
0xa: {  	s5 =	sand.u32 $0x1, s5;
	[smem:$0x7FF] =	sst s3;
	s6 =	sshll.u32 s2, $0xC  }
0xb: {  	s8 =	sshll.u32 s2, $0x11;
	s7 =	sshll.u32 s5, $0xB;
	_ =	strace $0x80000047  }
0xc: {  	s31 =	ssub.s32 $0x2, s5;
	s8 =	sadd.s32 s8, s4;
	s5 =	sshll.u32 s5, $0x10  }
0xd: {  	s6 =	sor.u32 s7, s6;
	s9 =	sshrl.u32 s31, $0x1;
	s5 =	sadd.s32 s5, s8  }
0xe: {  	v2 =	vlaneseq.u32;
	s8 =	simm.s32 $0x80;
	s6 =	sshrl.u32 s6, $0x3;
	s7 =	ssub.s32 s31, s9  }
0xf: {  	vm0 =	vmmov $0xffff;
	v1 =	vshrl.u32 v2, $0x3;
	s5 =	sadd.s32 $0x64C00, s5;
	s9 =	simm.s32 $0x880;
	s6 =	sadd.s32 s6, s4  }
0x10: {  	v0 =	vand.u32 $0x7, v2;
	v2 =	vor.u32 $0x8, v2;
	v1 =	vmul.u32 $0x8, v1;
	s4 =	smax.u32 s7, $0x1;
	s7 =	simm.s32 $0x2;
	s6 =	sadd.s32 $0x62C00, s6  }
.LBB2_1:
0x11: {  	s26 =	smov.u32 s5;
	s28 =	simm.s32 $0x0  }
.LBB2_2:
0x12: {  	s29 =	sadd.s32 s28, s6  }
0x13: {  	[tilespmem:s3], [sflag:$0x2] =	stream.linear.gather [hbm4b:s29+s3], $0x80, $0x38;
	[tilespmem:$0x8080] =	vst v63  }
0x14: {  	_ =	swait.ge [sflag:s7], $0x80  }
0x15: {  	[sflag:s7] =	ssyncset.done $0x0  }
0x16: {  	[sflag:s7] =	ssyncadd.s32 $0xFFFFFF80  }
0x17: {  	v3 =	vld [tilespmem:$0x0];
	_ =	sdelay $0x4  }
0x18: {  	v4 =	vshll.u32 v3, $0x1  }
0x19: {  	v3 =	vand.u32 $0x7, v3;
	v4 =	vand.u32 $0xFFFFFFF0, v4  }
0x1a: {  	v3 =	vor.u32 v3, v4  }
0x1b: {  	v4 =	vperm.xlane v3, v0;
	_ =	sdelay $0x1  }
0x1c: {  	v3 =	vperm.xlane v3, v2;
	v4 =	vadd.s32 v1, v4;
	_ =	sdelay $0x1  }
0x1d: {  	v3 =	vadd.s32 v1, v3;
	_ =	sdelay $0x2  }
0x1e: {  	[tilespmem:s8], [sflag:$0x1] =	stream.indirect_vreg.gather [hbm4b:s1+s3], $0x80, v4, vm0, $0xb8;
	[tilespmem:$0x8080] =	vst v63  }
0x1f: {  	_ = 	snop  }
0x20: {  	[tilespmem:s9], [sflag:$0x1] =	stream.indirect_vreg.gather [hbm4b:s1+s3], $0x80, v3, vm0, $0xb8;
	[tilespmem:$0x8080] =	vst v63  }
0x21: {  	v3 =	vld [tilespmem:$0x10];
	_ =	sdelay $0x4  }
0x22: {  	v57 =	vshll.u32 v3, $0x1  }
0x23: {  	v3 =	vand.u32 $0x7, v3;
	v4 =	vand.u32 $0xFFFFFFF0, v57  }
0x24: {  	v3 =	vor.u32 v3, v4  }
0x25: {  	v4 =	vperm.xlane v3, v0;
	_ =	sdelay $0x1  }
0x26: {  	v3 =	vperm.xlane v3, v2;
	v4 =	vadd.s32 v1, v4;
	_ =	sdelay $0x1  }
0x27: {  	v3 =	vadd.s32 v1, v3;
	_ =	sdelay $0x2  }
0x28: {  	[tilespmem:s10], [sflag:$0x1] =	stream.indirect_vreg.gather [hbm4b:s1+s3], $0x80, v4, vm0, $0xb8;
	[tilespmem:$0x8080] =	vst v63  }
0x29: {  	_ = 	snop  }
0x2a: {  	[tilespmem:s11], [sflag:$0x1] =	stream.indirect_vreg.gather [hbm4b:s1+s3], $0x80, v3, vm0, $0xb8;
	[tilespmem:$0x8080] =	vst v63  }
0x2b: {  	v3 =	vld [tilespmem:$0x20];
	_ =	sdelay $0x4  }
0x2c: {  	v58 =	vshll.u32 v3, $0x1  }
0x2d: {  	v3 =	vand.u32 $0x7, v3;
	v4 =	vand.u32 $0xFFFFFFF0, v58  }
0x2e: {  	v3 =	vor.u32 v3, v4  }
0x2f: {  	v4 =	vperm.xlane v3, v0;
	_ =	sdelay $0x1  }
0x30: {  	v3 =	vperm.xlane v3, v2;
	v4 =	vadd.s32 v1, v4;
	_ =	sdelay $0x1  }
0x31: {  	v3 =	vadd.s32 v1, v3;
	_ =	sdelay $0x2  }
0x32: {  	[tilespmem:s12], [sflag:$0x1] =	stream.indirect_vreg.gather [hbm4b:s1+s3], $0x80, v4, vm0, $0xb8;
	[tilespmem:$0x8080] =	vst v63  }
0x33: {  	_ = 	snop  }
0x34: {  	[tilespmem:s13], [sflag:$0x1] =	stream.indirect_vreg.gather [hbm4b:s1+s3], $0x80, v3, vm0, $0xb8;
	[tilespmem:$0x8080] =	vst v63  }
0x35: {  	v3 =	vld [tilespmem:$0x30];
	_ =	sdelay $0x4  }
0x36: {  	v59 =	vshll.u32 v3, $0x1  }
0x37: {  	v3 =	vand.u32 $0x7, v3;
	v4 =	vand.u32 $0xFFFFFFF0, v59  }
0x38: {  	v3 =	vor.u32 v3, v4  }
0x39: {  	v4 =	vperm.xlane v3, v0;
	_ =	sdelay $0x1  }
0x3a: {  	v3 =	vperm.xlane v3, v2;
	v4 =	vadd.s32 v1, v4;
	_ =	sdelay $0x1  }
0x3b: {  	v3 =	vadd.s32 v1, v3;
	_ =	sdelay $0x2  }
0x3c: {  	[tilespmem:s14], [sflag:$0x1] =	stream.indirect_vreg.gather [hbm4b:s1+s3], $0x80, v4, vm0, $0xb8;
	[tilespmem:$0x8080] =	vst v63  }
0x3d: {  	_ = 	snop  }
0x3e: {  	[tilespmem:s15], [sflag:$0x1] =	stream.indirect_vreg.gather [hbm4b:s1+s3], $0x80, v3, vm0, $0xb8;
	[tilespmem:$0x8080] =	vst v63  }
0x3f: {  	v3 =	vld [tilespmem:$0x40];
	_ =	sdelay $0x4  }
0x40: {  	v60 =	vshll.u32 v3, $0x1  }
0x41: {  	v3 =	vand.u32 $0x7, v3;
	v4 =	vand.u32 $0xFFFFFFF0, v60  }
0x42: {  	v3 =	vor.u32 v3, v4  }
0x43: {  	v4 =	vperm.xlane v3, v0;
	_ =	sdelay $0x1  }
0x44: {  	v3 =	vperm.xlane v3, v2;
	v4 =	vadd.s32 v1, v4;
	_ =	sdelay $0x1  }
0x45: {  	v3 =	vadd.s32 v1, v3;
	_ =	sdelay $0x2  }
0x46: {  	[tilespmem:s16], [sflag:$0x1] =	stream.indirect_vreg.gather [hbm4b:s1+s3], $0x80, v4, vm0, $0xb8;
	[tilespmem:$0x8080] =	vst v63  }
0x47: {  	_ = 	snop  }
0x48: {  	[tilespmem:s17], [sflag:$0x1] =	stream.indirect_vreg.gather [hbm4b:s1+s3], $0x80, v3, vm0, $0xb8;
	[tilespmem:$0x8080] =	vst v63  }
0x49: {  	v3 =	vld [tilespmem:$0x50];
	_ =	sdelay $0x4  }
0x4a: {  	v61 =	vshll.u32 v3, $0x1  }
0x4b: {  	v3 =	vand.u32 $0x7, v3;
	v4 =	vand.u32 $0xFFFFFFF0, v61  }
0x4c: {  	v3 =	vor.u32 v3, v4  }
0x4d: {  	v4 =	vperm.xlane v3, v0;
	_ =	sdelay $0x1  }
0x4e: {  	v3 =	vperm.xlane v3, v2;
	v4 =	vadd.s32 v1, v4;
	_ =	sdelay $0x1  }
0x4f: {  	v3 =	vadd.s32 v1, v3;
	_ =	sdelay $0x2  }
0x50: {  	[tilespmem:s18], [sflag:$0x1] =	stream.indirect_vreg.gather [hbm4b:s1+s3], $0x80, v4, vm0, $0xb8;
	[tilespmem:$0x8080] =	vst v63  }
0x51: {  	_ = 	snop  }
0x52: {  	[tilespmem:s19], [sflag:$0x1] =	stream.indirect_vreg.gather [hbm4b:s1+s3], $0x80, v3, vm0, $0xb8;
	[tilespmem:$0x8080] =	vst v63  }
0x53: {  	v3 =	vld [tilespmem:$0x60];
	_ =	sdelay $0x4  }
0x54: {  	v62 =	vshll.u32 v3, $0x1  }
0x55: {  	v3 =	vand.u32 $0x7, v3;
	v4 =	vand.u32 $0xFFFFFFF0, v62  }
0x56: {  	v3 =	vor.u32 v3, v4  }
0x57: {  	v4 =	vperm.xlane v3, v0;
	_ =	sdelay $0x1  }
0x58: {  	v3 =	vperm.xlane v3, v2;
	v4 =	vadd.s32 v1, v4;
	_ =	sdelay $0x1  }
0x59: {  	v3 =	vadd.s32 v1, v3;
	_ =	sdelay $0x2  }
0x5a: {  	[tilespmem:s20], [sflag:$0x1] =	stream.indirect_vreg.gather [hbm4b:s1+s3], $0x80, v4, vm0, $0xb8;
	[tilespmem:$0x8080] =	vst v63  }
0x5b: {  	_ = 	snop  }
0x5c: {  	[tilespmem:s21], [sflag:$0x1] =	stream.indirect_vreg.gather [hbm4b:s1+s3], $0x80, v3, vm0, $0xb8;
	[tilespmem:$0x8080] =	vst v63  }
0x5d: {  	v3 =	vld [tilespmem:$0x70];
	_ =	sdelay $0x4  }
0x5e: {  	v63 =	vshll.u32 v3, $0x1  }
0x5f: {  	v3 =	vand.u32 $0x7, v3;
	v4 =	vand.u32 $0xFFFFFFF0, v63  }
0x60: {  	v3 =	vor.u32 v3, v4  }
0x61: {  	v4 =	vperm.xlane v3, v0;
	_ =	sdelay $0x1  }
0x62: {  	v3 =	vperm.xlane v3, v2;
	v4 =	vadd.s32 v1, v4;
	_ =	sdelay $0x1  }
0x63: {  	v3 =	vadd.s32 v1, v3;
	_ =	sdelay $0x2  }
0x64: {  	[tilespmem:s22], [sflag:$0x1] =	stream.indirect_vreg.gather [hbm4b:s1+s3], $0x80, v4, vm0, $0xb8;
	[tilespmem:$0x8080] =	vst v63  }
0x65: {  	_ = 	snop  }
0x66: {  	[tilespmem:s23], [sflag:$0x1] =	stream.indirect_vreg.gather [hbm4b:s1+s3], $0x80, v3, vm0, $0xb8;
	[tilespmem:$0x8080] =	vst v63  }
0x67: {  	_ =	swait.ge [sflag:s24], $0x8000  }
0x68: {  	p0 =	sne.s32 s28, $0xF0;
	[sflag:s24] =	ssyncset.done $0x0  }
.Ltmp0:
0x69: {  	[sflag:s24] =	ssyncadd.s32 $0xFFFF8000;
	(pc) =	sbr.rel @p0 .LBB2_2-.Ltmp0, $4  }
0x6a: {  	[hbm4b:s26+s3] =	stream.linear.scatter [tilespmem:s8], [sflag:$0x2], $0x8000, $0x38;
	[tilespmem:$0x8080] =	vst v63  }
0x6b: {  	_ =	swait.ge [sflag:s7], $0x8000  }
0x6c: {  	[sflag:s7] =	ssyncset.done $0x0  }
0x6d: {  	s28 =	sadd.s32 $0x10, s28;
	s26 =	sadd.s32 $0x1000, s26;
	[sflag:s7] =	ssyncadd.s32 $0xFFFF8000  }
0x6e: {  	s25 =	sadd.s32 $0x1, s25  }
0x6f: {  	p0 =	sne.s32 s25, s4  }
.Ltmp1:
0x70: {  	_ = 	snop;
	(pc) =	sbr.rel @p0 .LBB2_1-.Ltmp1, $1  }
0x71: {  	_ =	sdelay $0x3  }
0x72: {  	_ =	sfence.sel $0x180000  }
0x73: {  	[bflag:$0x0] =	sbarrier.arrive $0xFFFF  }
0x74: {  	p0 =	sne.s32 s2, $0x0;
	_ =	strace $0x90000047  }
0x75: {  	s0 =	sadd.s32 @!p0 $0x100000, s0;
	[bflag:$0x2] =	sbarrier.arrive $0xFFFF  }
0x76: {  	[sflag:s0] =	ssyncadd.tile.s32 @!p0 $0x1;
	_ =	shalt  }
.Lfunc_end2:
_tile_overlayer_lowered:
.L_overlay_start_2:
0x77: {  	(tag) =	ssettag $0x2  }
0x78: {  	s0 =	rddreg [dreg:$0x0];
	s2 =	stileid.u32  }
0x79: {  	s1 =	rddreg [dreg:$0x1];
	p0 =	sne.s32 s2, $0x0  }
0x7a: {  	s3 =	rddreg [dreg:$0x2];
	[bflag:$0x3] =	sbarrier.arrive $0xFFFF;
	s2 =	simm.s32 @!p0 $0x1C02  }
0x7b: {  	[timem:s3], [sflag:s2] =	dma.local @!p0 [hbm:s0], s1  }
0x7c: {  	s0 =	simm.s32 @!p0 $0x2  }
0x7d: {  	_ =	swait.ge @!p0 [sflag:s0], s1  }
0x7e: {  	s1 =	ssub.s32 @!p0 $0x0, s1;
	[sflag:s0] =	ssyncset.done @!p0 $0x0  }
0x7f: {  	[sflag:s0] =	ssyncadd.s32 @!p0 s1  }
0x80: {  	[bflag:$0x3] =	sbarrier.arrive $0xFFFF  }
0x81: {  	_ =	shalt  }

</sc_bundles>
